<compile_context>
chip_gen: v7x
topology: tpu7x:2x2x1
jax: 0.10.2.dev20260603
libtpu: 0.0.44.dev20260713+nightly
codegen_flags: <defaults>
</compile_context>

<pallas_src>
import jax
import jax.numpy as jnp
from jax import lax
from jax.experimental import pallas as pl
from jax.experimental.pallas import tpu as pltpu
from jax.experimental.pallas import tpu_sc as plsc

EMBED_DIM = 32
NBUF = 8
NUM_WORKERS = 32


def kernel(x, table):
    batch, seq = x.shape
    rows_per_worker = batch // NUM_WORKERS
    rounds = rows_per_worker // NBUF

    mesh = plsc.VectorSubcoreMesh(core_axis_name="core", subcore_axis_name="subcore")

    scratch = (
        [pltpu.VMEM((rows_per_worker, seq), jnp.int32)]
        + [pltpu.VMEM((seq, EMBED_DIM), jnp.float32) for _ in range(NBUF)]
        + [pltpu.SemaphoreType.DMA for _ in range(2 * NBUF + 1)]
    )

    @pl.kernel(
        out_type=jax.ShapeDtypeStruct((batch, seq, EMBED_DIM), table.dtype),
        mesh=mesh,
        scratch_types=scratch,
        compiler_params=pltpu.CompilerParams(use_tc_tiling_on_sc=False),
    )
    def gather_kernel(table_hbm, idx_hbm, out_hbm, idx_v, *rest):
        bufs = rest[:NBUF]
        gsem = rest[NBUF:2 * NBUF]
        wsem = rest[2 * NBUF:3 * NBUF]
        isem = rest[3 * NBUF]

        wid = lax.axis_index("subcore") * 2 + lax.axis_index("core")
        b0 = wid * rows_per_worker

        pltpu.async_copy(idx_hbm.at[pl.ds(b0, rows_per_worker), :], idx_v, isem).wait()

        def start_gather(j, b):
            pltpu.async_copy(table_hbm.at[idx_v.at[j]], bufs[b], gsem[b])

        def wait_gather(j, b):
            pltpu.make_async_copy(
                table_hbm.at[idx_v.at[j]], bufs[b], gsem[b]
            ).wait()

        def start_write(j, b):
            pltpu.async_copy(bufs[b], out_hbm.at[b0 + j], wsem[b])

        def wait_write(j, b):
            pltpu.make_async_copy(bufs[b], out_hbm.at[b0 + j], wsem[b]).wait()

        for b in range(NBUF):
            start_gather(b, b)

        @pl.loop(0, rounds - 1)
        def _(g):
            base = g * NBUF
            for b in range(NBUF):
                wait_gather(base + b, b)
                start_write(base + b, b)
            for b in range(NBUF):
                wait_write(base + b, b)
                start_gather(base + NBUF + b, b)

        base = (rounds - 1) * NBUF
        for b in range(NBUF):
            wait_gather(base + b, b)
            start_write(base + b, b)
        for b in range(NBUF):
            wait_write(base + b, b)

    return gather_kernel(table, x)

# --- scband reference (transcript-rebuilt; emitter-appended) ---
"""Pipeline reference for scband-embedding-model-19353122636265 (READ-ONLY COPY).

The authoritative reference and input builder live on the scoring server;
editing this copy changes nothing except your own understanding.
"""

import jax, jax.numpy as jnp
import numpy as np

VOCAB = 1000000
EMBED_DIM = 32
BATCH = 16384
SEQ = 50

def setup_inputs(seed: int = 0) -> dict:
    key = jax.random.key(seed)
    k_idx, k_tab = jax.random.split(key)
    x = jax.random.randint(k_idx, (BATCH, SEQ), 0, VOCAB, dtype=jnp.int64 if jax.config.jax_enable_x64 else jnp.int32)
    table = jax.random.normal(k_tab, (VOCAB, EMBED_DIM), dtype=jnp.float32)
    return {"x": x, "table": table}

def reference(x, table):
    # nn.Embedding forward: gather rows of the table by index
    return jnp.take(table, x, axis=0)

if __name__ == "__main__":
    import jax
    _d = setup_inputs()
    print(jax.jit(kernel)(*tuple(_d.values())))

</pallas_src>

<mosaic_0001>
#map = affine_map<(d0, d1) -> (0, 0)>
#map1 = affine_map<(d0, d1) -> (0, 0, 0)>
module attributes {stable_mosaic.version = 14 : i64} {
  func.func @gather_kernel(%arg0: i32, %arg1: i32, %arg2: memref<1000000x32xf32, #tpu.memory_space<hbm>>, %arg3: memref<16384x50xi32, #tpu.memory_space<hbm>>, %arg4: memref<16384x50x32xf32, #tpu.memory_space<hbm>>, %arg5: memref<512x50xi32, #tpu.memory_space<vmem>>, %arg6: memref<50x32xf32, #tpu.memory_space<vmem>>, %arg7: memref<50x32xf32, #tpu.memory_space<vmem>>, %arg8: memref<50x32xf32, #tpu.memory_space<vmem>>, %arg9: memref<50x32xf32, #tpu.memory_space<vmem>>, %arg10: memref<50x32xf32, #tpu.memory_space<vmem>>, %arg11: memref<50x32xf32, #tpu.memory_space<vmem>>, %arg12: memref<50x32xf32, #tpu.memory_space<vmem>>, %arg13: memref<50x32xf32, #tpu.memory_space<vmem>>, %arg14: memref<!tpu.dma_semaphore, #tpu.memory_space<semaphore_mem>>, %arg15: memref<!tpu.dma_semaphore, #tpu.memory_space<semaphore_mem>>, %arg16: memref<!tpu.dma_semaphore, #tpu.memory_space<semaphore_mem>>, %arg17: memref<!tpu.dma_semaphore, #tpu.memory_space<semaphore_mem>>, %arg18: memref<!tpu.dma_semaphore, #tpu.memory_space<semaphore_mem>>, %arg19: memref<!tpu.dma_semaphore, #tpu.memory_space<semaphore_mem>>, %arg20: memref<!tpu.dma_semaphore, #tpu.memory_space<semaphore_mem>>, %arg21: memref<!tpu.dma_semaphore, #tpu.memory_space<semaphore_mem>>, %arg22: memref<!tpu.dma_semaphore, #tpu.memory_space<semaphore_mem>>, %arg23: memref<!tpu.dma_semaphore, #tpu.memory_space<semaphore_mem>>, %arg24: memref<!tpu.dma_semaphore, #tpu.memory_space<semaphore_mem>>, %arg25: memref<!tpu.dma_semaphore, #tpu.memory_space<semaphore_mem>>, %arg26: memref<!tpu.dma_semaphore, #tpu.memory_space<semaphore_mem>>, %arg27: memref<!tpu.dma_semaphore, #tpu.memory_space<semaphore_mem>>, %arg28: memref<!tpu.dma_semaphore, #tpu.memory_space<semaphore_mem>>, %arg29: memref<!tpu.dma_semaphore, #tpu.memory_space<semaphore_mem>>, %arg30: memref<!tpu.dma_semaphore, #tpu.memory_space<semaphore_mem>>) attributes {dimension_semantics = [#tpu.dimension_semantics<core_parallel>, #tpu.dimension_semantics<subcore_parallel>], iteration_bounds = array<i64: 2, 16>, scalar_prefetch = 0 : i64, scratch_operands = 26 : i64, tpu.core_type = #tpu.core_type<sc_vector_subcore>, window_params = [{transform_indices = #map}, {transform_indices = #map}, {transform_indices = #map1}]} {
    %mul3A = arith.constant 2 : i32
    %mul3A_0 = arith.muli %arg1, %mul3A : i32
    %add3A = arith.addi %mul3A_0, %arg0 : i32
    %mul3A_1 = arith.constant 512 : i32
    %mul3A_2 = arith.muli %add3A, %mul3A_1 : i32
    %dma_start3A = arith.constant 0 : i32
    %dma_start3A_3 = tpu.memref_slice %arg3[%mul3A_2, %dma_start3A] : memref<16384x50xi32, #tpu.memory_space<hbm>> -> memref<512x50xi32, #tpu.memory_space<hbm>>
    %dma_start3A_4 = arith.constant 0 : i32
    %dma_start3A_5 = tpu.memref_slice %arg3[%mul3A_2, %dma_start3A_4] : memref<16384x50xi32, #tpu.memory_space<hbm>> -> memref<512x50xi32, #tpu.memory_space<hbm>>
    tpu.enqueue_dma source(%dma_start3A_5 : memref<512x50xi32, #tpu.memory_space<hbm>>) target(%arg5 : memref<512x50xi32, #tpu.memory_space<vmem>>) target_semaphore(%arg30 : memref<!tpu.dma_semaphore, #tpu.memory_space<semaphore_mem>>)
    %dma_wait3A = arith.constant 0 : i32
    %dma_wait3A_6 = tpu.memref_slice %arg3[%mul3A_2, %dma_wait3A] : memref<16384x50xi32, #tpu.memory_space<hbm>> -> memref<512x50xi32, #tpu.memory_space<hbm>>
    %dma_wait3A_7 = arith.constant 0 : i32
    %dma_wait3A_8 = tpu.memref_slice %arg3[%mul3A_2, %dma_wait3A_7] : memref<16384x50xi32, #tpu.memory_space<hbm>> -> memref<512x50xi32, #tpu.memory_space<hbm>>
    tpu.wait_dma2 semaphore(%arg30 : memref<!tpu.dma_semaphore, #tpu.memory_space<semaphore_mem>>) src(%dma_wait3A_8 : memref<512x50xi32, #tpu.memory_space<hbm>>) dst(%arg5 : memref<512x50xi32, #tpu.memory_space<vmem>>)
    %dma_start3A_9 = arith.constant 0 : i32
    %dma_start3A_10 = arith.constant 0 : i32
    %dma_start3A_11 = tpu.memref_slice %arg5[%dma_start3A_9, %dma_start3A_10] : memref<512x50xi32, #tpu.memory_space<vmem>> -> memref<1x50xi32, #tpu.memory_space<vmem>>
    %dma_start3A_12 = tpu.memref_squeeze %dma_start3A_11 : memref<1x50xi32, #tpu.memory_space<vmem>> -> memref<50xi32, #tpu.memory_space<vmem>>
    %dma_start3A_13 = arith.constant 0 : i32
    %dma_start3A_14 = arith.constant 0 : i32
    %dma_start3A_15 = tpu.memref_slice %arg2[%dma_start3A_13, %dma_start3A_14] : memref<1000000x32xf32, #tpu.memory_space<hbm>> -> memref<1000000x32xf32, #tpu.memory_space<hbm>>
    tpu.enqueue_indirect_dma source(%dma_start3A_15 : memref<1000000x32xf32, #tpu.memory_space<hbm>>) target(%arg6 : memref<50x32xf32, #tpu.memory_space<vmem>>) offsets(%dma_start3A_12 : memref<50xi32, #tpu.memory_space<vmem>>) semaphore(%arg14 : memref<!tpu.dma_semaphore, #tpu.memory_space<semaphore_mem>>)
    %dma_start3A_16 = arith.constant 1 : i32
    %dma_start3A_17 = arith.constant 0 : i32
    %dma_start3A_18 = tpu.memref_slice %arg5[%dma_start3A_16, %dma_start3A_17] : memref<512x50xi32, #tpu.memory_space<vmem>> -> memref<1x50xi32, #tpu.memory_space<vmem>>
    %dma_start3A_19 = tpu.memref_squeeze %dma_start3A_18 : memref<1x50xi32, #tpu.memory_space<vmem>> -> memref<50xi32, #tpu.memory_space<vmem>>
    %dma_start3A_20 = arith.constant 0 : i32
    %dma_start3A_21 = arith.constant 0 : i32
    %dma_start3A_22 = tpu.memref_slice %arg2[%dma_start3A_20, %dma_start3A_21] : memref<1000000x32xf32, #tpu.memory_space<hbm>> -> memref<1000000x32xf32, #tpu.memory_space<hbm>>
    tpu.enqueue_indirect_dma source(%dma_start3A_22 : memref<1000000x32xf32, #tpu.memory_space<hbm>>) target(%arg7 : memref<50x32xf32, #tpu.memory_space<vmem>>) offsets(%dma_start3A_19 : memref<50xi32, #tpu.memory_space<vmem>>) semaphore(%arg15 : memref<!tpu.dma_semaphore, #tpu.memory_space<semaphore_mem>>)
    %dma_start3A_23 = arith.constant 2 : i32
    %dma_start3A_24 = arith.constant 0 : i32
    %dma_start3A_25 = tpu.memref_slice %arg5[%dma_start3A_23, %dma_start3A_24] : memref<512x50xi32, #tpu.memory_space<vmem>> -> memref<1x50xi32, #tpu.memory_space<vmem>>
    %dma_start3A_26 = tpu.memref_squeeze %dma_start3A_25 : memref<1x50xi32, #tpu.memory_space<vmem>> -> memref<50xi32, #tpu.memory_space<vmem>>
    %dma_start3A_27 = arith.constant 0 : i32
    %dma_start3A_28 = arith.constant 0 : i32
    %dma_start3A_29 = tpu.memref_slice %arg2[%dma_start3A_27, %dma_start3A_28] : memref<1000000x32xf32, #tpu.memory_space<hbm>> -> memref<1000000x32xf32, #tpu.memory_space<hbm>>
    tpu.enqueue_indirect_dma source(%dma_start3A_29 : memref<1000000x32xf32, #tpu.memory_space<hbm>>) target(%arg8 : memref<50x32xf32, #tpu.memory_space<vmem>>) offsets(%dma_start3A_26 : memref<50xi32, #tpu.memory_space<vmem>>) semaphore(%arg16 : memref<!tpu.dma_semaphore, #tpu.memory_space<semaphore_mem>>)
    %dma_start3A_30 = arith.constant 3 : i32
    %dma_start3A_31 = arith.constant 0 : i32
    %dma_start3A_32 = tpu.memref_slice %arg5[%dma_start3A_30, %dma_start3A_31] : memref<512x50xi32, #tpu.memory_space<vmem>> -> memref<1x50xi32, #tpu.memory_space<vmem>>
    %dma_start3A_33 = tpu.memref_squeeze %dma_start3A_32 : memref<1x50xi32, #tpu.memory_space<vmem>> -> memref<50xi32, #tpu.memory_space<vmem>>
    %dma_start3A_34 = arith.constant 0 : i32
    %dma_start3A_35 = arith.constant 0 : i32
    %dma_start3A_36 = tpu.memref_slice %arg2[%dma_start3A_34, %dma_start3A_35] : memref<1000000x32xf32, #tpu.memory_space<hbm>> -> memref<1000000x32xf32, #tpu.memory_space<hbm>>
    tpu.enqueue_indirect_dma source(%dma_start3A_36 : memref<1000000x32xf32, #tpu.memory_space<hbm>>) target(%arg9 : memref<50x32xf32, #tpu.memory_space<vmem>>) offsets(%dma_start3A_33 : memref<50xi32, #tpu.memory_space<vmem>>) semaphore(%arg17 : memref<!tpu.dma_semaphore, #tpu.memory_space<semaphore_mem>>)
    %dma_start3A_37 = arith.constant 4 : i32
    %dma_start3A_38 = arith.constant 0 : i32
    %dma_start3A_39 = tpu.memref_slice %arg5[%dma_start3A_37, %dma_start3A_38] : memref<512x50xi32, #tpu.memory_space<vmem>> -> memref<1x50xi32, #tpu.memory_space<vmem>>
    %dma_start3A_40 = tpu.memref_squeeze %dma_start3A_39 : memref<1x50xi32, #tpu.memory_space<vmem>> -> memref<50xi32, #tpu.memory_space<vmem>>
    %dma_start3A_41 = arith.constant 0 : i32
    %dma_start3A_42 = arith.constant 0 : i32
    %dma_start3A_43 = tpu.memref_slice %arg2[%dma_start3A_41, %dma_start3A_42] : memref<1000000x32xf32, #tpu.memory_space<hbm>> -> memref<1000000x32xf32, #tpu.memory_space<hbm>>
    tpu.enqueue_indirect_dma source(%dma_start3A_43 : memref<1000000x32xf32, #tpu.memory_space<hbm>>) target(%arg10 : memref<50x32xf32, #tpu.memory_space<vmem>>) offsets(%dma_start3A_40 : memref<50xi32, #tpu.memory_space<vmem>>) semaphore(%arg18 : memref<!tpu.dma_semaphore, #tpu.memory_space<semaphore_mem>>)
    %dma_start3A_44 = arith.constant 5 : i32
    %dma_start3A_45 = arith.constant 0 : i32
    %dma_start3A_46 = tpu.memref_slice %arg5[%dma_start3A_44, %dma_start3A_45] : memref<512x50xi32, #tpu.memory_space<vmem>> -> memref<1x50xi32, #tpu.memory_space<vmem>>
    %dma_start3A_47 = tpu.memref_squeeze %dma_start3A_46 : memref<1x50xi32, #tpu.memory_space<vmem>> -> memref<50xi32, #tpu.memory_space<vmem>>
    %dma_start3A_48 = arith.constant 0 : i32
    %dma_start3A_49 = arith.constant 0 : i32
    %dma_start3A_50 = tpu.memref_slice %arg2[%dma_start3A_48, %dma_start3A_49] : memref<1000000x32xf32, #tpu.memory_space<hbm>> -> memref<1000000x32xf32, #tpu.memory_space<hbm>>
    tpu.enqueue_indirect_dma source(%dma_start3A_50 : memref<1000000x32xf32, #tpu.memory_space<hbm>>) target(%arg11 : memref<50x32xf32, #tpu.memory_space<vmem>>) offsets(%dma_start3A_47 : memref<50xi32, #tpu.memory_space<vmem>>) semaphore(%arg19 : memref<!tpu.dma_semaphore, #tpu.memory_space<semaphore_mem>>)
    %dma_start3A_51 = arith.constant 6 : i32
    %dma_start3A_52 = arith.constant 0 : i32
    %dma_start3A_53 = tpu.memref_slice %arg5[%dma_start3A_51, %dma_start3A_52] : memref<512x50xi32, #tpu.memory_space<vmem>> -> memref<1x50xi32, #tpu.memory_space<vmem>>
    %dma_start3A_54 = tpu.memref_squeeze %dma_start3A_53 : memref<1x50xi32, #tpu.memory_space<vmem>> -> memref<50xi32, #tpu.memory_space<vmem>>
    %dma_start3A_55 = arith.constant 0 : i32
    %dma_start3A_56 = arith.constant 0 : i32
    %dma_start3A_57 = tpu.memref_slice %arg2[%dma_start3A_55, %dma_start3A_56] : memref<1000000x32xf32, #tpu.memory_space<hbm>> -> memref<1000000x32xf32, #tpu.memory_space<hbm>>
    tpu.enqueue_indirect_dma source(%dma_start3A_57 : memref<1000000x32xf32, #tpu.memory_space<hbm>>) target(%arg12 : memref<50x32xf32, #tpu.memory_space<vmem>>) offsets(%dma_start3A_54 : memref<50xi32, #tpu.memory_space<vmem>>) semaphore(%arg20 : memref<!tpu.dma_semaphore, #tpu.memory_space<semaphore_mem>>)
    %dma_start3A_58 = arith.constant 7 : i32
    %dma_start3A_59 = arith.constant 0 : i32
    %dma_start3A_60 = tpu.memref_slice %arg5[%dma_start3A_58, %dma_start3A_59] : memref<512x50xi32, #tpu.memory_space<vmem>> -> memref<1x50xi32, #tpu.memory_space<vmem>>
    %dma_start3A_61 = tpu.memref_squeeze %dma_start3A_60 : memref<1x50xi32, #tpu.memory_space<vmem>> -> memref<50xi32, #tpu.memory_space<vmem>>
    %dma_start3A_62 = arith.constant 0 : i32
    %dma_start3A_63 = arith.constant 0 : i32
    %dma_start3A_64 = tpu.memref_slice %arg2[%dma_start3A_62, %dma_start3A_63] : memref<1000000x32xf32, #tpu.memory_space<hbm>> -> memref<1000000x32xf32, #tpu.memory_space<hbm>>
    tpu.enqueue_indirect_dma source(%dma_start3A_64 : memref<1000000x32xf32, #tpu.memory_space<hbm>>) target(%arg13 : memref<50x32xf32, #tpu.memory_space<vmem>>) offsets(%dma_start3A_61 : memref<50xi32, #tpu.memory_space<vmem>>) semaphore(%arg21 : memref<!tpu.dma_semaphore, #tpu.memory_space<semaphore_mem>>)
    %scan3A = arith.constant 0 : i32
    %scan3A_65 = arith.constant 63 : i32
    %scan3A_66 = arith.addi %scan3A, %scan3A_65 : i32
    %scan3A_67 = arith.constant 1 : i32
    scf.for %scan3A_285 = %scan3A to %scan3A_66 step %scan3A_67  : i32 {
      %mul3A_286 = arith.constant 1 : i32
      %mul3A_287 = arith.muli %scan3A_285, %mul3A_286 : i32
      %add3A_288 = arith.constant 0 : i32
      %add3A_289 = arith.addi %add3A_288, %mul3A_287 : i32
      %mul3A_290 = arith.constant 8 : i32
      %mul3A_291 = arith.muli %add3A_289, %mul3A_290 : i32
      %add3A_292 = arith.constant 0 : i32
      %add3A_293 = arith.addi %mul3A_291, %add3A_292 : i32
      %dma_wait3A_294 = arith.constant 0 : i32
      %dma_wait3A_295 = tpu.memref_slice %arg5[%add3A_293, %dma_wait3A_294] : memref<512x50xi32, #tpu.memory_space<vmem>> -> memref<1x50xi32, #tpu.memory_space<vmem>>
      %dma_wait3A_296 = tpu.memref_squeeze %dma_wait3A_295 : memref<1x50xi32, #tpu.memory_space<vmem>> -> memref<50xi32, #tpu.memory_space<vmem>>
      %dma_wait3A_297 = arith.constant 0 : i32
      %dma_wait3A_298 = arith.constant 0 : i32
      %dma_wait3A_299 = tpu.memref_slice %arg2[%dma_wait3A_297, %dma_wait3A_298] : memref<1000000x32xf32, #tpu.memory_space<hbm>> -> memref<1000000x32xf32, #tpu.memory_space<hbm>>
      tpu.wait_indirect_dma semaphore(%arg14 : memref<!tpu.dma_semaphore, #tpu.memory_space<semaphore_mem>>) src(%dma_wait3A_299 : memref<1000000x32xf32, #tpu.memory_space<hbm>>) dst(%arg6 : memref<50x32xf32, #tpu.memory_space<vmem>>)
      %add3A_300 = arith.constant 0 : i32
      %add3A_301 = arith.addi %mul3A_291, %add3A_300 : i32
      %add3A_302 = arith.addi %mul3A_2, %add3A_301 : i32
      %dma_start3A_303 = arith.constant 0 : i32
      %dma_start3A_304 = arith.constant 0 : i32
      %dma_start3A_305 = tpu.memref_slice %arg4[%add3A_302, %dma_start3A_303, %dma_start3A_304] : memref<16384x50x32xf32, #tpu.memory_space<hbm>> -> memref<1x50x32xf32, #tpu.memory_space<hbm>>
      %dma_start3A_306 = tpu.memref_squeeze %dma_start3A_305 : memref<1x50x32xf32, #tpu.memory_space<hbm>> -> memref<50x32xf32, #tpu.memory_space<hbm>>
      %dma_start3A_307 = arith.constant 0 : i32
      %dma_start3A_308 = arith.constant 0 : i32
      %dma_start3A_309 = tpu.memref_slice %arg4[%add3A_302, %dma_start3A_307, %dma_start3A_308] : memref<16384x50x32xf32, #tpu.memory_space<hbm>> -> memref<1x50x32xf32, #tpu.memory_space<hbm>>
      %dma_start3A_310 = tpu.memref_squeeze %dma_start3A_309 : memref<1x50x32xf32, #tpu.memory_space<hbm>> -> memref<50x32xf32, #tpu.memory_space<hbm>>
      tpu.enqueue_dma source(%arg6 : memref<50x32xf32, #tpu.memory_space<vmem>>) target(%dma_start3A_310 : memref<50x32xf32, #tpu.memory_space<hbm>>) target_semaphore(%arg22 : memref<!tpu.dma_semaphore, #tpu.memory_space<semaphore_mem>>)
      %add3A_311 = arith.constant 1 : i32
      %add3A_312 = arith.addi %mul3A_291, %add3A_311 : i32
      %dma_wait3A_313 = arith.constant 0 : i32
      %dma_wait3A_314 = tpu.memref_slice %arg5[%add3A_312, %dma_wait3A_313] : memref<512x50xi32, #tpu.memory_space<vmem>> -> memref<1x50xi32, #tpu.memory_space<vmem>>
      %dma_wait3A_315 = tpu.memref_squeeze %dma_wait3A_314 : memref<1x50xi32, #tpu.memory_space<vmem>> -> memref<50xi32, #tpu.memory_space<vmem>>
      %dma_wait3A_316 = arith.constant 0 : i32
      %dma_wait3A_317 = arith.constant 0 : i32
      %dma_wait3A_318 = tpu.memref_slice %arg2[%dma_wait3A_316, %dma_wait3A_317] : memref<1000000x32xf32, #tpu.memory_space<hbm>> -> memref<1000000x32xf32, #tpu.memory_space<hbm>>
      tpu.wait_indirect_dma semaphore(%arg15 : memref<!tpu.dma_semaphore, #tpu.memory_space<semaphore_mem>>) src(%dma_wait3A_318 : memref<1000000x32xf32, #tpu.memory_space<hbm>>) dst(%arg7 : memref<50x32xf32, #tpu.memory_space<vmem>>)
      %add3A_319 = arith.constant 1 : i32
      %add3A_320 = arith.addi %mul3A_291, %add3A_319 : i32
      %add3A_321 = arith.addi %mul3A_2, %add3A_320 : i32
      %dma_start3A_322 = arith.constant 0 : i32
      %dma_start3A_323 = arith.constant 0 : i32
      %dma_start3A_324 = tpu.memref_slice %arg4[%add3A_321, %dma_start3A_322, %dma_start3A_323] : memref<16384x50x32xf32, #tpu.memory_space<hbm>> -> memref<1x50x32xf32, #tpu.memory_space<hbm>>
      %dma_start3A_325 = tpu.memref_squeeze %dma_start3A_324 : memref<1x50x32xf32, #tpu.memory_space<hbm>> -> memref<50x32xf32, #tpu.memory_space<hbm>>
      %dma_start3A_326 = arith.constant 0 : i32
      %dma_start3A_327 = arith.constant 0 : i32
      %dma_start3A_328 = tpu.memref_slice %arg4[%add3A_321, %dma_start3A_326, %dma_start3A_327] : memref<16384x50x32xf32, #tpu.memory_space<hbm>> -> memref<1x50x32xf32, #tpu.memory_space<hbm>>
      %dma_start3A_329 = tpu.memref_squeeze %dma_start3A_328 : memref<1x50x32xf32, #tpu.memory_space<hbm>> -> memref<50x32xf32, #tpu.memory_space<hbm>>
      tpu.enqueue_dma source(%arg7 : memref<50x32xf32, #tpu.memory_space<vmem>>) target(%dma_start3A_329 : memref<50x32xf32, #tpu.memory_space<hbm>>) target_semaphore(%arg23 : memref<!tpu.dma_semaphore, #tpu.memory_space<semaphore_mem>>)
      %add3A_330 = arith.constant 2 : i32
      %add3A_331 = arith.addi %mul3A_291, %add3A_330 : i32
      %dma_wait3A_332 = arith.constant 0 : i32
      %dma_wait3A_333 = tpu.memref_slice %arg5[%add3A_331, %dma_wait3A_332] : memref<512x50xi32, #tpu.memory_space<vmem>> -> memref<1x50xi32, #tpu.memory_space<vmem>>
      %dma_wait3A_334 = tpu.memref_squeeze %dma_wait3A_333 : memref<1x50xi32, #tpu.memory_space<vmem>> -> memref<50xi32, #tpu.memory_space<vmem>>
      %dma_wait3A_335 = arith.constant 0 : i32
      %dma_wait3A_336 = arith.constant 0 : i32
      %dma_wait3A_337 = tpu.memref_slice %arg2[%dma_wait3A_335, %dma_wait3A_336] : memref<1000000x32xf32, #tpu.memory_space<hbm>> -> memref<1000000x32xf32, #tpu.memory_space<hbm>>
      tpu.wait_indirect_dma semaphore(%arg16 : memref<!tpu.dma_semaphore, #tpu.memory_space<semaphore_mem>>) src(%dma_wait3A_337 : memref<1000000x32xf32, #tpu.memory_space<hbm>>) dst(%arg8 : memref<50x32xf32, #tpu.memory_space<vmem>>)
      %add3A_338 = arith.constant 2 : i32
      %add3A_339 = arith.addi %mul3A_291, %add3A_338 : i32
      %add3A_340 = arith.addi %mul3A_2, %add3A_339 : i32
      %dma_start3A_341 = arith.constant 0 : i32
      %dma_start3A_342 = arith.constant 0 : i32
      %dma_start3A_343 = tpu.memref_slice %arg4[%add3A_340, %dma_start3A_341, %dma_start3A_342] : memref<16384x50x32xf32, #tpu.memory_space<hbm>> -> memref<1x50x32xf32, #tpu.memory_space<hbm>>
      %dma_start3A_344 = tpu.memref_squeeze %dma_start3A_343 : memref<1x50x32xf32, #tpu.memory_space<hbm>> -> memref<50x32xf32, #tpu.memory_space<hbm>>
      %dma_start3A_345 = arith.constant 0 : i32
      %dma_start3A_346 = arith.constant 0 : i32
      %dma_start3A_347 = tpu.memref_slice %arg4[%add3A_340, %dma_start3A_345, %dma_start3A_346] : memref<16384x50x32xf32, #tpu.memory_space<hbm>> -> memref<1x50x32xf32, #tpu.memory_space<hbm>>
      %dma_start3A_348 = tpu.memref_squeeze %dma_start3A_347 : memref<1x50x32xf32, #tpu.memory_space<hbm>> -> memref<50x32xf32, #tpu.memory_space<hbm>>
      tpu.enqueue_dma source(%arg8 : memref<50x32xf32, #tpu.memory_space<vmem>>) target(%dma_start3A_348 : memref<50x32xf32, #tpu.memory_space<hbm>>) target_semaphore(%arg24 : memref<!tpu.dma_semaphore, #tpu.memory_space<semaphore_mem>>)
      %add3A_349 = arith.constant 3 : i32
      %add3A_350 = arith.addi %mul3A_291, %add3A_349 : i32
      %dma_wait3A_351 = arith.constant 0 : i32
      %dma_wait3A_352 = tpu.memref_slice %arg5[%add3A_350, %dma_wait3A_351] : memref<512x50xi32, #tpu.memory_space<vmem>> -> memref<1x50xi32, #tpu.memory_space<vmem>>
      %dma_wait3A_353 = tpu.memref_squeeze %dma_wait3A_352 : memref<1x50xi32, #tpu.memory_space<vmem>> -> memref<50xi32, #tpu.memory_space<vmem>>
      %dma_wait3A_354 = arith.constant 0 : i32
      %dma_wait3A_355 = arith.constant 0 : i32
      %dma_wait3A_356 = tpu.memref_slice %arg2[%dma_wait3A_354, %dma_wait3A_355] : memref<1000000x32xf32, #tpu.memory_space<hbm>> -> memref<1000000x32xf32, #tpu.memory_space<hbm>>
      tpu.wait_indirect_dma semaphore(%arg17 : memref<!tpu.dma_semaphore, #tpu.memory_space<semaphore_mem>>) src(%dma_wait3A_356 : memref<1000000x32xf32, #tpu.memory_space<hbm>>) dst(%arg9 : memref<50x32xf32, #tpu.memory_space<vmem>>)
      %add3A_357 = arith.constant 3 : i32
      %add3A_358 = arith.addi %mul3A_291, %add3A_357 : i32
      %add3A_359 = arith.addi %mul3A_2, %add3A_358 : i32
      %dma_start3A_360 = arith.constant 0 : i32
      %dma_start3A_361 = arith.constant 0 : i32
      %dma_start3A_362 = tpu.memref_slice %arg4[%add3A_359, %dma_start3A_360, %dma_start3A_361] : memref<16384x50x32xf32, #tpu.memory_space<hbm>> -> memref<1x50x32xf32, #tpu.memory_space<hbm>>
      %dma_start3A_363 = tpu.memref_squeeze %dma_start3A_362 : memref<1x50x32xf32, #tpu.memory_space<hbm>> -> memref<50x32xf32, #tpu.memory_space<hbm>>
      %dma_start3A_364 = arith.constant 0 : i32
      %dma_start3A_365 = arith.constant 0 : i32
      %dma_start3A_366 = tpu.memref_slice %arg4[%add3A_359, %dma_start3A_364, %dma_start3A_365] : memref<16384x50x32xf32, #tpu.memory_space<hbm>> -> memref<1x50x32xf32, #tpu.memory_space<hbm>>
      %dma_start3A_367 = tpu.memref_squeeze %dma_start3A_366 : memref<1x50x32xf32, #tpu.memory_space<hbm>> -> memref<50x32xf32, #tpu.memory_space<hbm>>
      tpu.enqueue_dma source(%arg9 : memref<50x32xf32, #tpu.memory_space<vmem>>) target(%dma_start3A_367 : memref<50x32xf32, #tpu.memory_space<hbm>>) target_semaphore(%arg25 : memref<!tpu.dma_semaphore, #tpu.memory_space<semaphore_mem>>)
      %add3A_368 = arith.constant 4 : i32
      %add3A_369 = arith.addi %mul3A_291, %add3A_368 : i32
      %dma_wait3A_370 = arith.constant 0 : i32
      %dma_wait3A_371 = tpu.memref_slice %arg5[%add3A_369, %dma_wait3A_370] : memref<512x50xi32, #tpu.memory_space<vmem>> -> memref<1x50xi32, #tpu.memory_space<vmem>>
      %dma_wait3A_372 = tpu.memref_squeeze %dma_wait3A_371 : memref<1x50xi32, #tpu.memory_space<vmem>> -> memref<50xi32, #tpu.memory_space<vmem>>
      %dma_wait3A_373 = arith.constant 0 : i32
      %dma_wait3A_374 = arith.constant 0 : i32
      %dma_wait3A_375 = tpu.memref_slice %arg2[%dma_wait3A_373, %dma_wait3A_374] : memref<1000000x32xf32, #tpu.memory_space<hbm>> -> memref<1000000x32xf32, #tpu.memory_space<hbm>>
      tpu.wait_indirect_dma semaphore(%arg18 : memref<!tpu.dma_semaphore, #tpu.memory_space<semaphore_mem>>) src(%dma_wait3A_375 : memref<1000000x32xf32, #tpu.memory_space<hbm>>) dst(%arg10 : memref<50x32xf32, #tpu.memory_space<vmem>>)
      %add3A_376 = arith.constant 4 : i32
      %add3A_377 = arith.addi %mul3A_291, %add3A_376 : i32
      %add3A_378 = arith.addi %mul3A_2, %add3A_377 : i32
      %dma_start3A_379 = arith.constant 0 : i32
      %dma_start3A_380 = arith.constant 0 : i32
      %dma_start3A_381 = tpu.memref_slice %arg4[%add3A_378, %dma_start3A_379, %dma_start3A_380] : memref<16384x50x32xf32, #tpu.memory_space<hbm>> -> memref<1x50x32xf32, #tpu.memory_space<hbm>>
      %dma_start3A_382 = tpu.memref_squeeze %dma_start3A_381 : memref<1x50x32xf32, #tpu.memory_space<hbm>> -> memref<50x32xf32, #tpu.memory_space<hbm>>
      %dma_start3A_383 = arith.constant 0 : i32
      %dma_start3A_384 = arith.constant 0 : i32
      %dma_start3A_385 = tpu.memref_slice %arg4[%add3A_378, %dma_start3A_383, %dma_start3A_384] : memref<16384x50x32xf32, #tpu.memory_space<hbm>> -> memref<1x50x32xf32, #tpu.memory_space<hbm>>
      %dma_start3A_386 = tpu.memref_squeeze %dma_start3A_385 : memref<1x50x32xf32, #tpu.memory_space<hbm>> -> memref<50x32xf32, #tpu.memory_space<hbm>>
      tpu.enqueue_dma source(%arg10 : memref<50x32xf32, #tpu.memory_space<vmem>>) target(%dma_start3A_386 : memref<50x32xf32, #tpu.memory_space<hbm>>) target_semaphore(%arg26 : memref<!tpu.dma_semaphore, #tpu.memory_space<semaphore_mem>>)
      %add3A_387 = arith.constant 5 : i32
      %add3A_388 = arith.addi %mul3A_291, %add3A_387 : i32
      %dma_wait3A_389 = arith.constant 0 : i32
      %dma_wait3A_390 = tpu.memref_slice %arg5[%add3A_388, %dma_wait3A_389] : memref<512x50xi32, #tpu.memory_space<vmem>> -> memref<1x50xi32, #tpu.memory_space<vmem>>
      %dma_wait3A_391 = tpu.memref_squeeze %dma_wait3A_390 : memref<1x50xi32, #tpu.memory_space<vmem>> -> memref<50xi32, #tpu.memory_space<vmem>>
      %dma_wait3A_392 = arith.constant 0 : i32
      %dma_wait3A_393 = arith.constant 0 : i32
      %dma_wait3A_394 = tpu.memref_slice %arg2[%dma_wait3A_392, %dma_wait3A_393] : memref<1000000x32xf32, #tpu.memory_space<hbm>> -> memref<1000000x32xf32, #tpu.memory_space<hbm>>
      tpu.wait_indirect_dma semaphore(%arg19 : memref<!tpu.dma_semaphore, #tpu.memory_space<semaphore_mem>>) src(%dma_wait3A_394 : memref<1000000x32xf32, #tpu.memory_space<hbm>>) dst(%arg11 : memref<50x32xf32, #tpu.memory_space<vmem>>)
      %add3A_395 = arith.constant 5 : i32
      %add3A_396 = arith.addi %mul3A_291, %add3A_395 : i32
      %add3A_397 = arith.addi %mul3A_2, %add3A_396 : i32
      %dma_start3A_398 = arith.constant 0 : i32
      %dma_start3A_399 = arith.constant 0 : i32
      %dma_start3A_400 = tpu.memref_slice %arg4[%add3A_397, %dma_start3A_398, %dma_start3A_399] : memref<16384x50x32xf32, #tpu.memory_space<hbm>> -> memref<1x50x32xf32, #tpu.memory_space<hbm>>
      %dma_start3A_401 = tpu.memref_squeeze %dma_start3A_400 : memref<1x50x32xf32, #tpu.memory_space<hbm>> -> memref<50x32xf32, #tpu.memory_space<hbm>>
      %dma_start3A_402 = arith.constant 0 : i32
      %dma_start3A_403 = arith.constant 0 : i32
      %dma_start3A_404 = tpu.memref_slice %arg4[%add3A_397, %dma_start3A_402, %dma_start3A_403] : memref<16384x50x32xf32, #tpu.memory_space<hbm>> -> memref<1x50x32xf32, #tpu.memory_space<hbm>>
      %dma_start3A_405 = tpu.memref_squeeze %dma_start3A_404 : memref<1x50x32xf32, #tpu.memory_space<hbm>> -> memref<50x32xf32, #tpu.memory_space<hbm>>
      tpu.enqueue_dma source(%arg11 : memref<50x32xf32, #tpu.memory_space<vmem>>) target(%dma_start3A_405 : memref<50x32xf32, #tpu.memory_space<hbm>>) target_semaphore(%arg27 : memref<!tpu.dma_semaphore, #tpu.memory_space<semaphore_mem>>)
      %add3A_406 = arith.constant 6 : i32
      %add3A_407 = arith.addi %mul3A_291, %add3A_406 : i32
      %dma_wait3A_408 = arith.constant 0 : i32
      %dma_wait3A_409 = tpu.memref_slice %arg5[%add3A_407, %dma_wait3A_408] : memref<512x50xi32, #tpu.memory_space<vmem>> -> memref<1x50xi32, #tpu.memory_space<vmem>>
      %dma_wait3A_410 = tpu.memref_squeeze %dma_wait3A_409 : memref<1x50xi32, #tpu.memory_space<vmem>> -> memref<50xi32, #tpu.memory_space<vmem>>
      %dma_wait3A_411 = arith.constant 0 : i32
      %dma_wait3A_412 = arith.constant 0 : i32
      %dma_wait3A_413 = tpu.memref_slice %arg2[%dma_wait3A_411, %dma_wait3A_412] : memref<1000000x32xf32, #tpu.memory_space<hbm>> -> memref<1000000x32xf32, #tpu.memory_space<hbm>>
      tpu.wait_indirect_dma semaphore(%arg20 : memref<!tpu.dma_semaphore, #tpu.memory_space<semaphore_mem>>) src(%dma_wait3A_413 : memref<1000000x32xf32, #tpu.memory_space<hbm>>) dst(%arg12 : memref<50x32xf32, #tpu.memory_space<vmem>>)
      %add3A_414 = arith.constant 6 : i32
      %add3A_415 = arith.addi %mul3A_291, %add3A_414 : i32
      %add3A_416 = arith.addi %mul3A_2, %add3A_415 : i32
      %dma_start3A_417 = arith.constant 0 : i32
      %dma_start3A_418 = arith.constant 0 : i32
      %dma_start3A_419 = tpu.memref_slice %arg4[%add3A_416, %dma_start3A_417, %dma_start3A_418] : memref<16384x50x32xf32, #tpu.memory_space<hbm>> -> memref<1x50x32xf32, #tpu.memory_space<hbm>>
      %dma_start3A_420 = tpu.memref_squeeze %dma_start3A_419 : memref<1x50x32xf32, #tpu.memory_space<hbm>> -> memref<50x32xf32, #tpu.memory_space<hbm>>
      %dma_start3A_421 = arith.constant 0 : i32
      %dma_start3A_422 = arith.constant 0 : i32
      %dma_start3A_423 = tpu.memref_slice %arg4[%add3A_416, %dma_start3A_421, %dma_start3A_422] : memref<16384x50x32xf32, #tpu.memory_space<hbm>> -> memref<1x50x32xf32, #tpu.memory_space<hbm>>
      %dma_start3A_424 = tpu.memref_squeeze %dma_start3A_423 : memref<1x50x32xf32, #tpu.memory_space<hbm>> -> memref<50x32xf32, #tpu.memory_space<hbm>>
      tpu.enqueue_dma source(%arg12 : memref<50x32xf32, #tpu.memory_space<vmem>>) target(%dma_start3A_424 : memref<50x32xf32, #tpu.memory_space<hbm>>) target_semaphore(%arg28 : memref<!tpu.dma_semaphore, #tpu.memory_space<semaphore_mem>>)
      %add3A_425 = arith.constant 7 : i32
      %add3A_426 = arith.addi %mul3A_291, %add3A_425 : i32
      %dma_wait3A_427 = arith.constant 0 : i32
      %dma_wait3A_428 = tpu.memref_slice %arg5[%add3A_426, %dma_wait3A_427] : memref<512x50xi32, #tpu.memory_space<vmem>> -> memref<1x50xi32, #tpu.memory_space<vmem>>
      %dma_wait3A_429 = tpu.memref_squeeze %dma_wait3A_428 : memref<1x50xi32, #tpu.memory_space<vmem>> -> memref<50xi32, #tpu.memory_space<vmem>>
      %dma_wait3A_430 = arith.constant 0 : i32
      %dma_wait3A_431 = arith.constant 0 : i32
      %dma_wait3A_432 = tpu.memref_slice %arg2[%dma_wait3A_430, %dma_wait3A_431] : memref<1000000x32xf32, #tpu.memory_space<hbm>> -> memref<1000000x32xf32, #tpu.memory_space<hbm>>
      tpu.wait_indirect_dma semaphore(%arg21 : memref<!tpu.dma_semaphore, #tpu.memory_space<semaphore_mem>>) src(%dma_wait3A_432 : memref<1000000x32xf32, #tpu.memory_space<hbm>>) dst(%arg13 : memref<50x32xf32, #tpu.memory_space<vmem>>)
      %add3A_433 = arith.constant 7 : i32
      %add3A_434 = arith.addi %mul3A_291, %add3A_433 : i32
      %add3A_435 = arith.addi %mul3A_2, %add3A_434 : i32
      %dma_start3A_436 = arith.constant 0 : i32
      %dma_start3A_437 = arith.constant 0 : i32
      %dma_start3A_438 = tpu.memref_slice %arg4[%add3A_435, %dma_start3A_436, %dma_start3A_437] : memref<16384x50x32xf32, #tpu.memory_space<hbm>> -> memref<1x50x32xf32, #tpu.memory_space<hbm>>
      %dma_start3A_439 = tpu.memref_squeeze %dma_start3A_438 : memref<1x50x32xf32, #tpu.memory_space<hbm>> -> memref<50x32xf32, #tpu.memory_space<hbm>>
      %dma_start3A_440 = arith.constant 0 : i32
      %dma_start3A_441 = arith.constant 0 : i32
      %dma_start3A_442 = tpu.memref_slice %arg4[%add3A_435, %dma_start3A_440, %dma_start3A_441] : memref<16384x50x32xf32, #tpu.memory_space<hbm>> -> memref<1x50x32xf32, #tpu.memory_space<hbm>>
      %dma_start3A_443 = tpu.memref_squeeze %dma_start3A_442 : memref<1x50x32xf32, #tpu.memory_space<hbm>> -> memref<50x32xf32, #tpu.memory_space<hbm>>
      tpu.enqueue_dma source(%arg13 : memref<50x32xf32, #tpu.memory_space<vmem>>) target(%dma_start3A_443 : memref<50x32xf32, #tpu.memory_space<hbm>>) target_semaphore(%arg29 : memref<!tpu.dma_semaphore, #tpu.memory_space<semaphore_mem>>)
      %add3A_444 = arith.constant 0 : i32
      %add3A_445 = arith.addi %mul3A_291, %add3A_444 : i32
      %add3A_446 = arith.addi %mul3A_2, %add3A_445 : i32
      %dma_wait3A_447 = arith.constant 0 : i32
      %dma_wait3A_448 = arith.constant 0 : i32
      %dma_wait3A_449 = tpu.memref_slice %arg4[%add3A_446, %dma_wait3A_447, %dma_wait3A_448] : memref<16384x50x32xf32, #tpu.memory_space<hbm>> -> memref<1x50x32xf32, #tpu.memory_space<hbm>>
      %dma_wait3A_450 = tpu.memref_squeeze %dma_wait3A_449 : memref<1x50x32xf32, #tpu.memory_space<hbm>> -> memref<50x32xf32, #tpu.memory_space<hbm>>
      %dma_wait3A_451 = arith.constant 0 : i32
      %dma_wait3A_452 = arith.constant 0 : i32
      %dma_wait3A_453 = tpu.memref_slice %arg4[%add3A_446, %dma_wait3A_451, %dma_wait3A_452] : memref<16384x50x32xf32, #tpu.memory_space<hbm>> -> memref<1x50x32xf32, #tpu.memory_space<hbm>>
      %dma_wait3A_454 = tpu.memref_squeeze %dma_wait3A_453 : memref<1x50x32xf32, #tpu.memory_space<hbm>> -> memref<50x32xf32, #tpu.memory_space<hbm>>
      tpu.wait_dma2 semaphore(%arg22 : memref<!tpu.dma_semaphore, #tpu.memory_space<semaphore_mem>>) src(%arg6 : memref<50x32xf32, #tpu.memory_space<vmem>>) dst(%dma_wait3A_454 : memref<50x32xf32, #tpu.memory_space<hbm>>)
      %add3A_455 = arith.constant 8 : i32
      %add3A_456 = arith.addi %mul3A_291, %add3A_455 : i32
      %add3A_457 = arith.constant 0 : i32
      %add3A_458 = arith.addi %add3A_456, %add3A_457 : i32
      %dma_start3A_459 = arith.constant 0 : i32
      %dma_start3A_460 = tpu.memref_slice %arg5[%add3A_458, %dma_start3A_459] : memref<512x50xi32, #tpu.memory_space<vmem>> -> memref<1x50xi32, #tpu.memory_space<vmem>>
      %dma_start3A_461 = tpu.memref_squeeze %dma_start3A_460 : memref<1x50xi32, #tpu.memory_space<vmem>> -> memref<50xi32, #tpu.memory_space<vmem>>
      %dma_start3A_462 = arith.constant 0 : i32
      %dma_start3A_463 = arith.constant 0 : i32
      %dma_start3A_464 = tpu.memref_slice %arg2[%dma_start3A_462, %dma_start3A_463] : memref<1000000x32xf32, #tpu.memory_space<hbm>> -> memref<1000000x32xf32, #tpu.memory_space<hbm>>
      tpu.enqueue_indirect_dma source(%dma_start3A_464 : memref<1000000x32xf32, #tpu.memory_space<hbm>>) target(%arg6 : memref<50x32xf32, #tpu.memory_space<vmem>>) offsets(%dma_start3A_461 : memref<50xi32, #tpu.memory_space<vmem>>) semaphore(%arg14 : memref<!tpu.dma_semaphore, #tpu.memory_space<semaphore_mem>>)
      %add3A_465 = arith.constant 1 : i32
      %add3A_466 = arith.addi %mul3A_291, %add3A_465 : i32
      %add3A_467 = arith.addi %mul3A_2, %add3A_466 : i32
      %dma_wait3A_468 = arith.constant 0 : i32
      %dma_wait3A_469 = arith.constant 0 : i32
      %dma_wait3A_470 = tpu.memref_slice %arg4[%add3A_467, %dma_wait3A_468, %dma_wait3A_469] : memref<16384x50x32xf32, #tpu.memory_space<hbm>> -> memref<1x50x32xf32, #tpu.memory_space<hbm>>
      %dma_wait3A_471 = tpu.memref_squeeze %dma_wait3A_470 : memref<1x50x32xf32, #tpu.memory_space<hbm>> -> memref<50x32xf32, #tpu.memory_space<hbm>>
      %dma_wait3A_472 = arith.constant 0 : i32
      %dma_wait3A_473 = arith.constant 0 : i32
      %dma_wait3A_474 = tpu.memref_slice %arg4[%add3A_467, %dma_wait3A_472, %dma_wait3A_473] : memref<16384x50x32xf32, #tpu.memory_space<hbm>> -> memref<1x50x32xf32, #tpu.memory_space<hbm>>
      %dma_wait3A_475 = tpu.memref_squeeze %dma_wait3A_474 : memref<1x50x32xf32, #tpu.memory_space<hbm>> -> memref<50x32xf32, #tpu.memory_space<hbm>>
      tpu.wait_dma2 semaphore(%arg23 : memref<!tpu.dma_semaphore, #tpu.memory_space<semaphore_mem>>) src(%arg7 : memref<50x32xf32, #tpu.memory_space<vmem>>) dst(%dma_wait3A_475 : memref<50x32xf32, #tpu.memory_space<hbm>>)
      %add3A_476 = arith.constant 8 : i32
      %add3A_477 = arith.addi %mul3A_291, %add3A_476 : i32
      %add3A_478 = arith.constant 1 : i32
      %add3A_479 = arith.addi %add3A_477, %add3A_478 : i32
      %dma_start3A_480 = arith.constant 0 : i32
      %dma_start3A_481 = tpu.memref_slice %arg5[%add3A_479, %dma_start3A_480] : memref<512x50xi32, #tpu.memory_space<vmem>> -> memref<1x50xi32, #tpu.memory_space<vmem>>
      %dma_start3A_482 = tpu.memref_squeeze %dma_start3A_481 : memref<1x50xi32, #tpu.memory_space<vmem>> -> memref<50xi32, #tpu.memory_space<vmem>>
      %dma_start3A_483 = arith.constant 0 : i32
      %dma_start3A_484 = arith.constant 0 : i32
      %dma_start3A_485 = tpu.memref_slice %arg2[%dma_start3A_483, %dma_start3A_484] : memref<1000000x32xf32, #tpu.memory_space<hbm>> -> memref<1000000x32xf32, #tpu.memory_space<hbm>>
      tpu.enqueue_indirect_dma source(%dma_start3A_485 : memref<1000000x32xf32, #tpu.memory_space<hbm>>) target(%arg7 : memref<50x32xf32, #tpu.memory_space<vmem>>) offsets(%dma_start3A_482 : memref<50xi32, #tpu.memory_space<vmem>>) semaphore(%arg15 : memref<!tpu.dma_semaphore, #tpu.memory_space<semaphore_mem>>)
      %add3A_486 = arith.constant 2 : i32
      %add3A_487 = arith.addi %mul3A_291, %add3A_486 : i32
      %add3A_488 = arith.addi %mul3A_2, %add3A_487 : i32
      %dma_wait3A_489 = arith.constant 0 : i32
      %dma_wait3A_490 = arith.constant 0 : i32
      %dma_wait3A_491 = tpu.memref_slice %arg4[%add3A_488, %dma_wait3A_489, %dma_wait3A_490] : memref<16384x50x32xf32, #tpu.memory_space<hbm>> -> memref<1x50x32xf32, #tpu.memory_space<hbm>>
      %dma_wait3A_492 = tpu.memref_squeeze %dma_wait3A_491 : memref<1x50x32xf32, #tpu.memory_space<hbm>> -> memref<50x32xf32, #tpu.memory_space<hbm>>
      %dma_wait3A_493 = arith.constant 0 : i32
      %dma_wait3A_494 = arith.constant 0 : i32
      %dma_wait3A_495 = tpu.memref_slice %arg4[%add3A_488, %dma_wait3A_493, %dma_wait3A_494] : memref<16384x50x32xf32, #tpu.memory_space<hbm>> -> memref<1x50x32xf32, #tpu.memory_space<hbm>>
      %dma_wait3A_496 = tpu.memref_squeeze %dma_wait3A_495 : memref<1x50x32xf32, #tpu.memory_space<hbm>> -> memref<50x32xf32, #tpu.memory_space<hbm>>
      tpu.wait_dma2 semaphore(%arg24 : memref<!tpu.dma_semaphore, #tpu.memory_space<semaphore_mem>>) src(%arg8 : memref<50x32xf32, #tpu.memory_space<vmem>>) dst(%dma_wait3A_496 : memref<50x32xf32, #tpu.memory_space<hbm>>)
      %add3A_497 = arith.constant 8 : i32
      %add3A_498 = arith.addi %mul3A_291, %add3A_497 : i32
      %add3A_499 = arith.constant 2 : i32
      %add3A_500 = arith.addi %add3A_498, %add3A_499 : i32
      %dma_start3A_501 = arith.constant 0 : i32
      %dma_start3A_502 = tpu.memref_slice %arg5[%add3A_500, %dma_start3A_501] : memref<512x50xi32, #tpu.memory_space<vmem>> -> memref<1x50xi32, #tpu.memory_space<vmem>>
      %dma_start3A_503 = tpu.memref_squeeze %dma_start3A_502 : memref<1x50xi32, #tpu.memory_space<vmem>> -> memref<50xi32, #tpu.memory_space<vmem>>
      %dma_start3A_504 = arith.constant 0 : i32
      %dma_start3A_505 = arith.constant 0 : i32
      %dma_start3A_506 = tpu.memref_slice %arg2[%dma_start3A_504, %dma_start3A_505] : memref<1000000x32xf32, #tpu.memory_space<hbm>> -> memref<1000000x32xf32, #tpu.memory_space<hbm>>
      tpu.enqueue_indirect_dma source(%dma_start3A_506 : memref<1000000x32xf32, #tpu.memory_space<hbm>>) target(%arg8 : memref<50x32xf32, #tpu.memory_space<vmem>>) offsets(%dma_start3A_503 : memref<50xi32, #tpu.memory_space<vmem>>) semaphore(%arg16 : memref<!tpu.dma_semaphore, #tpu.memory_space<semaphore_mem>>)
      %add3A_507 = arith.constant 3 : i32
      %add3A_508 = arith.addi %mul3A_291, %add3A_507 : i32
      %add3A_509 = arith.addi %mul3A_2, %add3A_508 : i32
      %dma_wait3A_510 = arith.constant 0 : i32
      %dma_wait3A_511 = arith.constant 0 : i32
      %dma_wait3A_512 = tpu.memref_slice %arg4[%add3A_509, %dma_wait3A_510, %dma_wait3A_511] : memref<16384x50x32xf32, #tpu.memory_space<hbm>> -> memref<1x50x32xf32, #tpu.memory_space<hbm>>
      %dma_wait3A_513 = tpu.memref_squeeze %dma_wait3A_512 : memref<1x50x32xf32, #tpu.memory_space<hbm>> -> memref<50x32xf32, #tpu.memory_space<hbm>>
      %dma_wait3A_514 = arith.constant 0 : i32
      %dma_wait3A_515 = arith.constant 0 : i32
      %dma_wait3A_516 = tpu.memref_slice %arg4[%add3A_509, %dma_wait3A_514, %dma_wait3A_515] : memref<16384x50x32xf32, #tpu.memory_space<hbm>> -> memref<1x50x32xf32, #tpu.memory_space<hbm>>
      %dma_wait3A_517 = tpu.memref_squeeze %dma_wait3A_516 : memref<1x50x32xf32, #tpu.memory_space<hbm>> -> memref<50x32xf32, #tpu.memory_space<hbm>>
      tpu.wait_dma2 semaphore(%arg25 : memref<!tpu.dma_semaphore, #tpu.memory_space<semaphore_mem>>) src(%arg9 : memref<50x32xf32, #tpu.memory_space<vmem>>) dst(%dma_wait3A_517 : memref<50x32xf32, #tpu.memory_space<hbm>>)
      %add3A_518 = arith.constant 8 : i32
      %add3A_519 = arith.addi %mul3A_291, %add3A_518 : i32
      %add3A_520 = arith.constant 3 : i32
      %add3A_521 = arith.addi %add3A_519, %add3A_520 : i32
      %dma_start3A_522 = arith.constant 0 : i32
      %dma_start3A_523 = tpu.memref_slice %arg5[%add3A_521, %dma_start3A_522] : memref<512x50xi32, #tpu.memory_space<vmem>> -> memref<1x50xi32, #tpu.memory_space<vmem>>
      %dma_start3A_524 = tpu.memref_squeeze %dma_start3A_523 : memref<1x50xi32, #tpu.memory_space<vmem>> -> memref<50xi32, #tpu.memory_space<vmem>>
      %dma_start3A_525 = arith.constant 0 : i32
      %dma_start3A_526 = arith.constant 0 : i32
      %dma_start3A_527 = tpu.memref_slice %arg2[%dma_start3A_525, %dma_start3A_526] : memref<1000000x32xf32, #tpu.memory_space<hbm>> -> memref<1000000x32xf32, #tpu.memory_space<hbm>>
      tpu.enqueue_indirect_dma source(%dma_start3A_527 : memref<1000000x32xf32, #tpu.memory_space<hbm>>) target(%arg9 : memref<50x32xf32, #tpu.memory_space<vmem>>) offsets(%dma_start3A_524 : memref<50xi32, #tpu.memory_space<vmem>>) semaphore(%arg17 : memref<!tpu.dma_semaphore, #tpu.memory_space<semaphore_mem>>)
      %add3A_528 = arith.constant 4 : i32
      %add3A_529 = arith.addi %mul3A_291, %add3A_528 : i32
      %add3A_530 = arith.addi %mul3A_2, %add3A_529 : i32
      %dma_wait3A_531 = arith.constant 0 : i32
      %dma_wait3A_532 = arith.constant 0 : i32
      %dma_wait3A_533 = tpu.memref_slice %arg4[%add3A_530, %dma_wait3A_531, %dma_wait3A_532] : memref<16384x50x32xf32, #tpu.memory_space<hbm>> -> memref<1x50x32xf32, #tpu.memory_space<hbm>>
      %dma_wait3A_534 = tpu.memref_squeeze %dma_wait3A_533 : memref<1x50x32xf32, #tpu.memory_space<hbm>> -> memref<50x32xf32, #tpu.memory_space<hbm>>
      %dma_wait3A_535 = arith.constant 0 : i32
      %dma_wait3A_536 = arith.constant 0 : i32
      %dma_wait3A_537 = tpu.memref_slice %arg4[%add3A_530, %dma_wait3A_535, %dma_wait3A_536] : memref<16384x50x32xf32, #tpu.memory_space<hbm>> -> memref<1x50x32xf32, #tpu.memory_space<hbm>>
      %dma_wait3A_538 = tpu.memref_squeeze %dma_wait3A_537 : memref<1x50x32xf32, #tpu.memory_space<hbm>> -> memref<50x32xf32, #tpu.memory_space<hbm>>
      tpu.wait_dma2 semaphore(%arg26 : memref<!tpu.dma_semaphore, #tpu.memory_space<semaphore_mem>>) src(%arg10 : memref<50x32xf32, #tpu.memory_space<vmem>>) dst(%dma_wait3A_538 : memref<50x32xf32, #tpu.memory_space<hbm>>)
      %add3A_539 = arith.constant 8 : i32
      %add3A_540 = arith.addi %mul3A_291, %add3A_539 : i32
      %add3A_541 = arith.constant 4 : i32
      %add3A_542 = arith.addi %add3A_540, %add3A_541 : i32
      %dma_start3A_543 = arith.constant 0 : i32
      %dma_start3A_544 = tpu.memref_slice %arg5[%add3A_542, %dma_start3A_543] : memref<512x50xi32, #tpu.memory_space<vmem>> -> memref<1x50xi32, #tpu.memory_space<vmem>>
      %dma_start3A_545 = tpu.memref_squeeze %dma_start3A_544 : memref<1x50xi32, #tpu.memory_space<vmem>> -> memref<50xi32, #tpu.memory_space<vmem>>
      %dma_start3A_546 = arith.constant 0 : i32
      %dma_start3A_547 = arith.constant 0 : i32
      %dma_start3A_548 = tpu.memref_slice %arg2[%dma_start3A_546, %dma_start3A_547] : memref<1000000x32xf32, #tpu.memory_space<hbm>> -> memref<1000000x32xf32, #tpu.memory_space<hbm>>
      tpu.enqueue_indirect_dma source(%dma_start3A_548 : memref<1000000x32xf32, #tpu.memory_space<hbm>>) target(%arg10 : memref<50x32xf32, #tpu.memory_space<vmem>>) offsets(%dma_start3A_545 : memref<50xi32, #tpu.memory_space<vmem>>) semaphore(%arg18 : memref<!tpu.dma_semaphore, #tpu.memory_space<semaphore_mem>>)
      %add3A_549 = arith.constant 5 : i32
      %add3A_550 = arith.addi %mul3A_291, %add3A_549 : i32
      %add3A_551 = arith.addi %mul3A_2, %add3A_550 : i32
      %dma_wait3A_552 = arith.constant 0 : i32
      %dma_wait3A_553 = arith.constant 0 : i32
      %dma_wait3A_554 = tpu.memref_slice %arg4[%add3A_551, %dma_wait3A_552, %dma_wait3A_553] : memref<16384x50x32xf32, #tpu.memory_space<hbm>> -> memref<1x50x32xf32, #tpu.memory_space<hbm>>
      %dma_wait3A_555 = tpu.memref_squeeze %dma_wait3A_554 : memref<1x50x32xf32, #tpu.memory_space<hbm>> -> memref<50x32xf32, #tpu.memory_space<hbm>>
      %dma_wait3A_556 = arith.constant 0 : i32
      %dma_wait3A_557 = arith.constant 0 : i32
      %dma_wait3A_558 = tpu.memref_slice %arg4[%add3A_551, %dma_wait3A_556, %dma_wait3A_557] : memref<16384x50x32xf32, #tpu.memory_space<hbm>> -> memref<1x50x32xf32, #tpu.memory_space<hbm>>
      %dma_wait3A_559 = tpu.memref_squeeze %dma_wait3A_558 : memref<1x50x32xf32, #tpu.memory_space<hbm>> -> memref<50x32xf32, #tpu.memory_space<hbm>>
      tpu.wait_dma2 semaphore(%arg27 : memref<!tpu.dma_semaphore, #tpu.memory_space<semaphore_mem>>) src(%arg11 : memref<50x32xf32, #tpu.memory_space<vmem>>) dst(%dma_wait3A_559 : memref<50x32xf32, #tpu.memory_space<hbm>>)
      %add3A_560 = arith.constant 8 : i32
      %add3A_561 = arith.addi %mul3A_291, %add3A_560 : i32
      %add3A_562 = arith.constant 5 : i32
      %add3A_563 = arith.addi %add3A_561, %add3A_562 : i32
      %dma_start3A_564 = arith.constant 0 : i32
      %dma_start3A_565 = tpu.memref_slice %arg5[%add3A_563, %dma_start3A_564] : memref<512x50xi32, #tpu.memory_space<vmem>> -> memref<1x50xi32, #tpu.memory_space<vmem>>
      %dma_start3A_566 = tpu.memref_squeeze %dma_start3A_565 : memref<1x50xi32, #tpu.memory_space<vmem>> -> memref<50xi32, #tpu.memory_space<vmem>>
      %dma_start3A_567 = arith.constant 0 : i32
      %dma_start3A_568 = arith.constant 0 : i32
      %dma_start3A_569 = tpu.memref_slice %arg2[%dma_start3A_567, %dma_start3A_568] : memref<1000000x32xf32, #tpu.memory_space<hbm>> -> memref<1000000x32xf32, #tpu.memory_space<hbm>>
      tpu.enqueue_indirect_dma source(%dma_start3A_569 : memref<1000000x32xf32, #tpu.memory_space<hbm>>) target(%arg11 : memref<50x32xf32, #tpu.memory_space<vmem>>) offsets(%dma_start3A_566 : memref<50xi32, #tpu.memory_space<vmem>>) semaphore(%arg19 : memref<!tpu.dma_semaphore, #tpu.memory_space<semaphore_mem>>)
      %add3A_570 = arith.constant 6 : i32
      %add3A_571 = arith.addi %mul3A_291, %add3A_570 : i32
      %add3A_572 = arith.addi %mul3A_2, %add3A_571 : i32
      %dma_wait3A_573 = arith.constant 0 : i32
      %dma_wait3A_574 = arith.constant 0 : i32
      %dma_wait3A_575 = tpu.memref_slice %arg4[%add3A_572, %dma_wait3A_573, %dma_wait3A_574] : memref<16384x50x32xf32, #tpu.memory_space<hbm>> -> memref<1x50x32xf32, #tpu.memory_space<hbm>>
      %dma_wait3A_576 = tpu.memref_squeeze %dma_wait3A_575 : memref<1x50x32xf32, #tpu.memory_space<hbm>> -> memref<50x32xf32, #tpu.memory_space<hbm>>
      %dma_wait3A_577 = arith.constant 0 : i32
      %dma_wait3A_578 = arith.constant 0 : i32
      %dma_wait3A_579 = tpu.memref_slice %arg4[%add3A_572, %dma_wait3A_577, %dma_wait3A_578] : memref<16384x50x32xf32, #tpu.memory_space<hbm>> -> memref<1x50x32xf32, #tpu.memory_space<hbm>>
      %dma_wait3A_580 = tpu.memref_squeeze %dma_wait3A_579 : memref<1x50x32xf32, #tpu.memory_space<hbm>> -> memref<50x32xf32, #tpu.memory_space<hbm>>
      tpu.wait_dma2 semaphore(%arg28 : memref<!tpu.dma_semaphore, #tpu.memory_space<semaphore_mem>>) src(%arg12 : memref<50x32xf32, #tpu.memory_space<vmem>>) dst(%dma_wait3A_580 : memref<50x32xf32, #tpu.memory_space<hbm>>)
      %add3A_581 = arith.constant 8 : i32
      %add3A_582 = arith.addi %mul3A_291, %add3A_581 : i32
      %add3A_583 = arith.constant 6 : i32
      %add3A_584 = arith.addi %add3A_582, %add3A_583 : i32
      %dma_start3A_585 = arith.constant 0 : i32
      %dma_start3A_586 = tpu.memref_slice %arg5[%add3A_584, %dma_start3A_585] : memref<512x50xi32, #tpu.memory_space<vmem>> -> memref<1x50xi32, #tpu.memory_space<vmem>>
      %dma_start3A_587 = tpu.memref_squeeze %dma_start3A_586 : memref<1x50xi32, #tpu.memory_space<vmem>> -> memref<50xi32, #tpu.memory_space<vmem>>
      %dma_start3A_588 = arith.constant 0 : i32
      %dma_start3A_589 = arith.constant 0 : i32
      %dma_start3A_590 = tpu.memref_slice %arg2[%dma_start3A_588, %dma_start3A_589] : memref<1000000x32xf32, #tpu.memory_space<hbm>> -> memref<1000000x32xf32, #tpu.memory_space<hbm>>
      tpu.enqueue_indirect_dma source(%dma_start3A_590 : memref<1000000x32xf32, #tpu.memory_space<hbm>>) target(%arg12 : memref<50x32xf32, #tpu.memory_space<vmem>>) offsets(%dma_start3A_587 : memref<50xi32, #tpu.memory_space<vmem>>) semaphore(%arg20 : memref<!tpu.dma_semaphore, #tpu.memory_space<semaphore_mem>>)
      %add3A_591 = arith.constant 7 : i32
      %add3A_592 = arith.addi %mul3A_291, %add3A_591 : i32
      %add3A_593 = arith.addi %mul3A_2, %add3A_592 : i32
      %dma_wait3A_594 = arith.constant 0 : i32
      %dma_wait3A_595 = arith.constant 0 : i32
      %dma_wait3A_596 = tpu.memref_slice %arg4[%add3A_593, %dma_wait3A_594, %dma_wait3A_595] : memref<16384x50x32xf32, #tpu.memory_space<hbm>> -> memref<1x50x32xf32, #tpu.memory_space<hbm>>
      %dma_wait3A_597 = tpu.memref_squeeze %dma_wait3A_596 : memref<1x50x32xf32, #tpu.memory_space<hbm>> -> memref<50x32xf32, #tpu.memory_space<hbm>>
      %dma_wait3A_598 = arith.constant 0 : i32
      %dma_wait3A_599 = arith.constant 0 : i32
      %dma_wait3A_600 = tpu.memref_slice %arg4[%add3A_593, %dma_wait3A_598, %dma_wait3A_599] : memref<16384x50x32xf32, #tpu.memory_space<hbm>> -> memref<1x50x32xf32, #tpu.memory_space<hbm>>
      %dma_wait3A_601 = tpu.memref_squeeze %dma_wait3A_600 : memref<1x50x32xf32, #tpu.memory_space<hbm>> -> memref<50x32xf32, #tpu.memory_space<hbm>>
      tpu.wait_dma2 semaphore(%arg29 : memref<!tpu.dma_semaphore, #tpu.memory_space<semaphore_mem>>) src(%arg13 : memref<50x32xf32, #tpu.memory_space<vmem>>) dst(%dma_wait3A_601 : memref<50x32xf32, #tpu.memory_space<hbm>>)
      %add3A_602 = arith.constant 8 : i32
      %add3A_603 = arith.addi %mul3A_291, %add3A_602 : i32
      %add3A_604 = arith.constant 7 : i32
      %add3A_605 = arith.addi %add3A_603, %add3A_604 : i32
      %dma_start3A_606 = arith.constant 0 : i32
      %dma_start3A_607 = tpu.memref_slice %arg5[%add3A_605, %dma_start3A_606] : memref<512x50xi32, #tpu.memory_space<vmem>> -> memref<1x50xi32, #tpu.memory_space<vmem>>
      %dma_start3A_608 = tpu.memref_squeeze %dma_start3A_607 : memref<1x50xi32, #tpu.memory_space<vmem>> -> memref<50xi32, #tpu.memory_space<vmem>>
      %dma_start3A_609 = arith.constant 0 : i32
      %dma_start3A_610 = arith.constant 0 : i32
      %dma_start3A_611 = tpu.memref_slice %arg2[%dma_start3A_609, %dma_start3A_610] : memref<1000000x32xf32, #tpu.memory_space<hbm>> -> memref<1000000x32xf32, #tpu.memory_space<hbm>>
      tpu.enqueue_indirect_dma source(%dma_start3A_611 : memref<1000000x32xf32, #tpu.memory_space<hbm>>) target(%arg13 : memref<50x32xf32, #tpu.memory_space<vmem>>) offsets(%dma_start3A_608 : memref<50xi32, #tpu.memory_space<vmem>>) semaphore(%arg21 : memref<!tpu.dma_semaphore, #tpu.memory_space<semaphore_mem>>)
    }
    %scan3A_68 = arith.constant 63 : i32
    %dma_wait3A_69 = arith.constant 504 : i32
    %dma_wait3A_70 = arith.constant 0 : i32
    %dma_wait3A_71 = tpu.memref_slice %arg5[%dma_wait3A_69, %dma_wait3A_70] : memref<512x50xi32, #tpu.memory_space<vmem>> -> memref<1x50xi32, #tpu.memory_space<vmem>>
    %dma_wait3A_72 = tpu.memref_squeeze %dma_wait3A_71 : memref<1x50xi32, #tpu.memory_space<vmem>> -> memref<50xi32, #tpu.memory_space<vmem>>
    %dma_wait3A_73 = arith.constant 0 : i32
    %dma_wait3A_74 = arith.constant 0 : i32
    %dma_wait3A_75 = tpu.memref_slice %arg2[%dma_wait3A_73, %dma_wait3A_74] : memref<1000000x32xf32, #tpu.memory_space<hbm>> -> memref<1000000x32xf32, #tpu.memory_space<hbm>>
    tpu.wait_indirect_dma semaphore(%arg14 : memref<!tpu.dma_semaphore, #tpu.memory_space<semaphore_mem>>) src(%dma_wait3A_75 : memref<1000000x32xf32, #tpu.memory_space<hbm>>) dst(%arg6 : memref<50x32xf32, #tpu.memory_space<vmem>>)
    %add3A_76 = arith.constant 504 : i32
    %add3A_77 = arith.addi %mul3A_2, %add3A_76 : i32
    %dma_start3A_78 = arith.constant 0 : i32
    %dma_start3A_79 = arith.constant 0 : i32
    %dma_start3A_80 = tpu.memref_slice %arg4[%add3A_77, %dma_start3A_78, %dma_start3A_79] : memref<16384x50x32xf32, #tpu.memory_space<hbm>> -> memref<1x50x32xf32, #tpu.memory_space<hbm>>
    %dma_start3A_81 = tpu.memref_squeeze %dma_start3A_80 : memref<1x50x32xf32, #tpu.memory_space<hbm>> -> memref<50x32xf32, #tpu.memory_space<hbm>>
    %dma_start3A_82 = arith.constant 0 : i32
    %dma_start3A_83 = arith.constant 0 : i32
    %dma_start3A_84 = tpu.memref_slice %arg4[%add3A_77, %dma_start3A_82, %dma_start3A_83] : memref<16384x50x32xf32, #tpu.memory_space<hbm>> -> memref<1x50x32xf32, #tpu.memory_space<hbm>>
    %dma_start3A_85 = tpu.memref_squeeze %dma_start3A_84 : memref<1x50x32xf32, #tpu.memory_space<hbm>> -> memref<50x32xf32, #tpu.memory_space<hbm>>
    tpu.enqueue_dma source(%arg6 : memref<50x32xf32, #tpu.memory_space<vmem>>) target(%dma_start3A_85 : memref<50x32xf32, #tpu.memory_space<hbm>>) target_semaphore(%arg22 : memref<!tpu.dma_semaphore, #tpu.memory_space<semaphore_mem>>)
    %dma_wait3A_86 = arith.constant 505 : i32
    %dma_wait3A_87 = arith.constant 0 : i32
    %dma_wait3A_88 = tpu.memref_slice %arg5[%dma_wait3A_86, %dma_wait3A_87] : memref<512x50xi32, #tpu.memory_space<vmem>> -> memref<1x50xi32, #tpu.memory_space<vmem>>
    %dma_wait3A_89 = tpu.memref_squeeze %dma_wait3A_88 : memref<1x50xi32, #tpu.memory_space<vmem>> -> memref<50xi32, #tpu.memory_space<vmem>>
    %dma_wait3A_90 = arith.constant 0 : i32
    %dma_wait3A_91 = arith.constant 0 : i32
    %dma_wait3A_92 = tpu.memref_slice %arg2[%dma_wait3A_90, %dma_wait3A_91] : memref<1000000x32xf32, #tpu.memory_space<hbm>> -> memref<1000000x32xf32, #tpu.memory_space<hbm>>
    tpu.wait_indirect_dma semaphore(%arg15 : memref<!tpu.dma_semaphore, #tpu.memory_space<semaphore_mem>>) src(%dma_wait3A_92 : memref<1000000x32xf32, #tpu.memory_space<hbm>>) dst(%arg7 : memref<50x32xf32, #tpu.memory_space<vmem>>)
    %add3A_93 = arith.constant 505 : i32
    %add3A_94 = arith.addi %mul3A_2, %add3A_93 : i32
    %dma_start3A_95 = arith.constant 0 : i32
    %dma_start3A_96 = arith.constant 0 : i32
    %dma_start3A_97 = tpu.memref_slice %arg4[%add3A_94, %dma_start3A_95, %dma_start3A_96] : memref<16384x50x32xf32, #tpu.memory_space<hbm>> -> memref<1x50x32xf32, #tpu.memory_space<hbm>>
    %dma_start3A_98 = tpu.memref_squeeze %dma_start3A_97 : memref<1x50x32xf32, #tpu.memory_space<hbm>> -> memref<50x32xf32, #tpu.memory_space<hbm>>
    %dma_start3A_99 = arith.constant 0 : i32
    %dma_start3A_100 = arith.constant 0 : i32
    %dma_start3A_101 = tpu.memref_slice %arg4[%add3A_94, %dma_start3A_99, %dma_start3A_100] : memref<16384x50x32xf32, #tpu.memory_space<hbm>> -> memref<1x50x32xf32, #tpu.memory_space<hbm>>
    %dma_start3A_102 = tpu.memref_squeeze %dma_start3A_101 : memref<1x50x32xf32, #tpu.memory_space<hbm>> -> memref<50x32xf32, #tpu.memory_space<hbm>>
    tpu.enqueue_dma source(%arg7 : memref<50x32xf32, #tpu.memory_space<vmem>>) target(%dma_start3A_102 : memref<50x32xf32, #tpu.memory_space<hbm>>) target_semaphore(%arg23 : memref<!tpu.dma_semaphore, #tpu.memory_space<semaphore_mem>>)
    %dma_wait3A_103 = arith.constant 506 : i32
    %dma_wait3A_104 = arith.constant 0 : i32
    %dma_wait3A_105 = tpu.memref_slice %arg5[%dma_wait3A_103, %dma_wait3A_104] : memref<512x50xi32, #tpu.memory_space<vmem>> -> memref<1x50xi32, #tpu.memory_space<vmem>>
    %dma_wait3A_106 = tpu.memref_squeeze %dma_wait3A_105 : memref<1x50xi32, #tpu.memory_space<vmem>> -> memref<50xi32, #tpu.memory_space<vmem>>
    %dma_wait3A_107 = arith.constant 0 : i32
    %dma_wait3A_108 = arith.constant 0 : i32
    %dma_wait3A_109 = tpu.memref_slice %arg2[%dma_wait3A_107, %dma_wait3A_108] : memref<1000000x32xf32, #tpu.memory_space<hbm>> -> memref<1000000x32xf32, #tpu.memory_space<hbm>>
    tpu.wait_indirect_dma semaphore(%arg16 : memref<!tpu.dma_semaphore, #tpu.memory_space<semaphore_mem>>) src(%dma_wait3A_109 : memref<1000000x32xf32, #tpu.memory_space<hbm>>) dst(%arg8 : memref<50x32xf32, #tpu.memory_space<vmem>>)
    %add3A_110 = arith.constant 506 : i32
    %add3A_111 = arith.addi %mul3A_2, %add3A_110 : i32
    %dma_start3A_112 = arith.constant 0 : i32
    %dma_start3A_113 = arith.constant 0 : i32
    %dma_start3A_114 = tpu.memref_slice %arg4[%add3A_111, %dma_start3A_112, %dma_start3A_113] : memref<16384x50x32xf32, #tpu.memory_space<hbm>> -> memref<1x50x32xf32, #tpu.memory_space<hbm>>
    %dma_start3A_115 = tpu.memref_squeeze %dma_start3A_114 : memref<1x50x32xf32, #tpu.memory_space<hbm>> -> memref<50x32xf32, #tpu.memory_space<hbm>>
    %dma_start3A_116 = arith.constant 0 : i32
    %dma_start3A_117 = arith.constant 0 : i32
    %dma_start3A_118 = tpu.memref_slice %arg4[%add3A_111, %dma_start3A_116, %dma_start3A_117] : memref<16384x50x32xf32, #tpu.memory_space<hbm>> -> memref<1x50x32xf32, #tpu.memory_space<hbm>>
    %dma_start3A_119 = tpu.memref_squeeze %dma_start3A_118 : memref<1x50x32xf32, #tpu.memory_space<hbm>> -> memref<50x32xf32, #tpu.memory_space<hbm>>
    tpu.enqueue_dma source(%arg8 : memref<50x32xf32, #tpu.memory_space<vmem>>) target(%dma_start3A_119 : memref<50x32xf32, #tpu.memory_space<hbm>>) target_semaphore(%arg24 : memref<!tpu.dma_semaphore, #tpu.memory_space<semaphore_mem>>)
    %dma_wait3A_120 = arith.constant 507 : i32
    %dma_wait3A_121 = arith.constant 0 : i32
    %dma_wait3A_122 = tpu.memref_slice %arg5[%dma_wait3A_120, %dma_wait3A_121] : memref<512x50xi32, #tpu.memory_space<vmem>> -> memref<1x50xi32, #tpu.memory_space<vmem>>
    %dma_wait3A_123 = tpu.memref_squeeze %dma_wait3A_122 : memref<1x50xi32, #tpu.memory_space<vmem>> -> memref<50xi32, #tpu.memory_space<vmem>>
    %dma_wait3A_124 = arith.constant 0 : i32
    %dma_wait3A_125 = arith.constant 0 : i32
    %dma_wait3A_126 = tpu.memref_slice %arg2[%dma_wait3A_124, %dma_wait3A_125] : memref<1000000x32xf32, #tpu.memory_space<hbm>> -> memref<1000000x32xf32, #tpu.memory_space<hbm>>
    tpu.wait_indirect_dma semaphore(%arg17 : memref<!tpu.dma_semaphore, #tpu.memory_space<semaphore_mem>>) src(%dma_wait3A_126 : memref<1000000x32xf32, #tpu.memory_space<hbm>>) dst(%arg9 : memref<50x32xf32, #tpu.memory_space<vmem>>)
    %add3A_127 = arith.constant 507 : i32
    %add3A_128 = arith.addi %mul3A_2, %add3A_127 : i32
    %dma_start3A_129 = arith.constant 0 : i32
    %dma_start3A_130 = arith.constant 0 : i32
    %dma_start3A_131 = tpu.memref_slice %arg4[%add3A_128, %dma_start3A_129, %dma_start3A_130] : memref<16384x50x32xf32, #tpu.memory_space<hbm>> -> memref<1x50x32xf32, #tpu.memory_space<hbm>>
    %dma_start3A_132 = tpu.memref_squeeze %dma_start3A_131 : memref<1x50x32xf32, #tpu.memory_space<hbm>> -> memref<50x32xf32, #tpu.memory_space<hbm>>
    %dma_start3A_133 = arith.constant 0 : i32
    %dma_start3A_134 = arith.constant 0 : i32
    %dma_start3A_135 = tpu.memref_slice %arg4[%add3A_128, %dma_start3A_133, %dma_start3A_134] : memref<16384x50x32xf32, #tpu.memory_space<hbm>> -> memref<1x50x32xf32, #tpu.memory_space<hbm>>
    %dma_start3A_136 = tpu.memref_squeeze %dma_start3A_135 : memref<1x50x32xf32, #tpu.memory_space<hbm>> -> memref<50x32xf32, #tpu.memory_space<hbm>>
    tpu.enqueue_dma source(%arg9 : memref<50x32xf32, #tpu.memory_space<vmem>>) target(%dma_start3A_136 : memref<50x32xf32, #tpu.memory_space<hbm>>) target_semaphore(%arg25 : memref<!tpu.dma_semaphore, #tpu.memory_space<semaphore_mem>>)
    %dma_wait3A_137 = arith.constant 508 : i32
    %dma_wait3A_138 = arith.constant 0 : i32
    %dma_wait3A_139 = tpu.memref_slice %arg5[%dma_wait3A_137, %dma_wait3A_138] : memref<512x50xi32, #tpu.memory_space<vmem>> -> memref<1x50xi32, #tpu.memory_space<vmem>>
    %dma_wait3A_140 = tpu.memref_squeeze %dma_wait3A_139 : memref<1x50xi32, #tpu.memory_space<vmem>> -> memref<50xi32, #tpu.memory_space<vmem>>
    %dma_wait3A_141 = arith.constant 0 : i32
    %dma_wait3A_142 = arith.constant 0 : i32
    %dma_wait3A_143 = tpu.memref_slice %arg2[%dma_wait3A_141, %dma_wait3A_142] : memref<1000000x32xf32, #tpu.memory_space<hbm>> -> memref<1000000x32xf32, #tpu.memory_space<hbm>>
    tpu.wait_indirect_dma semaphore(%arg18 : memref<!tpu.dma_semaphore, #tpu.memory_space<semaphore_mem>>) src(%dma_wait3A_143 : memref<1000000x32xf32, #tpu.memory_space<hbm>>) dst(%arg10 : memref<50x32xf32, #tpu.memory_space<vmem>>)
    %add3A_144 = arith.constant 508 : i32
    %add3A_145 = arith.addi %mul3A_2, %add3A_144 : i32
    %dma_start3A_146 = arith.constant 0 : i32
    %dma_start3A_147 = arith.constant 0 : i32
    %dma_start3A_148 = tpu.memref_slice %arg4[%add3A_145, %dma_start3A_146, %dma_start3A_147] : memref<16384x50x32xf32, #tpu.memory_space<hbm>> -> memref<1x50x32xf32, #tpu.memory_space<hbm>>
    %dma_start3A_149 = tpu.memref_squeeze %dma_start3A_148 : memref<1x50x32xf32, #tpu.memory_space<hbm>> -> memref<50x32xf32, #tpu.memory_space<hbm>>
    %dma_start3A_150 = arith.constant 0 : i32
    %dma_start3A_151 = arith.constant 0 : i32
    %dma_start3A_152 = tpu.memref_slice %arg4[%add3A_145, %dma_start3A_150, %dma_start3A_151] : memref<16384x50x32xf32, #tpu.memory_space<hbm>> -> memref<1x50x32xf32, #tpu.memory_space<hbm>>
    %dma_start3A_153 = tpu.memref_squeeze %dma_start3A_152 : memref<1x50x32xf32, #tpu.memory_space<hbm>> -> memref<50x32xf32, #tpu.memory_space<hbm>>
    tpu.enqueue_dma source(%arg10 : memref<50x32xf32, #tpu.memory_space<vmem>>) target(%dma_start3A_153 : memref<50x32xf32, #tpu.memory_space<hbm>>) target_semaphore(%arg26 : memref<!tpu.dma_semaphore, #tpu.memory_space<semaphore_mem>>)
    %dma_wait3A_154 = arith.constant 509 : i32
    %dma_wait3A_155 = arith.constant 0 : i32
    %dma_wait3A_156 = tpu.memref_slice %arg5[%dma_wait3A_154, %dma_wait3A_155] : memref<512x50xi32, #tpu.memory_space<vmem>> -> memref<1x50xi32, #tpu.memory_space<vmem>>
    %dma_wait3A_157 = tpu.memref_squeeze %dma_wait3A_156 : memref<1x50xi32, #tpu.memory_space<vmem>> -> memref<50xi32, #tpu.memory_space<vmem>>
    %dma_wait3A_158 = arith.constant 0 : i32
    %dma_wait3A_159 = arith.constant 0 : i32
    %dma_wait3A_160 = tpu.memref_slice %arg2[%dma_wait3A_158, %dma_wait3A_159] : memref<1000000x32xf32, #tpu.memory_space<hbm>> -> memref<1000000x32xf32, #tpu.memory_space<hbm>>
    tpu.wait_indirect_dma semaphore(%arg19 : memref<!tpu.dma_semaphore, #tpu.memory_space<semaphore_mem>>) src(%dma_wait3A_160 : memref<1000000x32xf32, #tpu.memory_space<hbm>>) dst(%arg11 : memref<50x32xf32, #tpu.memory_space<vmem>>)
    %add3A_161 = arith.constant 509 : i32
    %add3A_162 = arith.addi %mul3A_2, %add3A_161 : i32
    %dma_start3A_163 = arith.constant 0 : i32
    %dma_start3A_164 = arith.constant 0 : i32
    %dma_start3A_165 = tpu.memref_slice %arg4[%add3A_162, %dma_start3A_163, %dma_start3A_164] : memref<16384x50x32xf32, #tpu.memory_space<hbm>> -> memref<1x50x32xf32, #tpu.memory_space<hbm>>
    %dma_start3A_166 = tpu.memref_squeeze %dma_start3A_165 : memref<1x50x32xf32, #tpu.memory_space<hbm>> -> memref<50x32xf32, #tpu.memory_space<hbm>>
    %dma_start3A_167 = arith.constant 0 : i32
    %dma_start3A_168 = arith.constant 0 : i32
    %dma_start3A_169 = tpu.memref_slice %arg4[%add3A_162, %dma_start3A_167, %dma_start3A_168] : memref<16384x50x32xf32, #tpu.memory_space<hbm>> -> memref<1x50x32xf32, #tpu.memory_space<hbm>>
    %dma_start3A_170 = tpu.memref_squeeze %dma_start3A_169 : memref<1x50x32xf32, #tpu.memory_space<hbm>> -> memref<50x32xf32, #tpu.memory_space<hbm>>
    tpu.enqueue_dma source(%arg11 : memref<50x32xf32, #tpu.memory_space<vmem>>) target(%dma_start3A_170 : memref<50x32xf32, #tpu.memory_space<hbm>>) target_semaphore(%arg27 : memref<!tpu.dma_semaphore, #tpu.memory_space<semaphore_mem>>)
    %dma_wait3A_171 = arith.constant 510 : i32
    %dma_wait3A_172 = arith.constant 0 : i32
    %dma_wait3A_173 = tpu.memref_slice %arg5[%dma_wait3A_171, %dma_wait3A_172] : memref<512x50xi32, #tpu.memory_space<vmem>> -> memref<1x50xi32, #tpu.memory_space<vmem>>
    %dma_wait3A_174 = tpu.memref_squeeze %dma_wait3A_173 : memref<1x50xi32, #tpu.memory_space<vmem>> -> memref<50xi32, #tpu.memory_space<vmem>>
    %dma_wait3A_175 = arith.constant 0 : i32
    %dma_wait3A_176 = arith.constant 0 : i32
    %dma_wait3A_177 = tpu.memref_slice %arg2[%dma_wait3A_175, %dma_wait3A_176] : memref<1000000x32xf32, #tpu.memory_space<hbm>> -> memref<1000000x32xf32, #tpu.memory_space<hbm>>
    tpu.wait_indirect_dma semaphore(%arg20 : memref<!tpu.dma_semaphore, #tpu.memory_space<semaphore_mem>>) src(%dma_wait3A_177 : memref<1000000x32xf32, #tpu.memory_space<hbm>>) dst(%arg12 : memref<50x32xf32, #tpu.memory_space<vmem>>)
    %add3A_178 = arith.constant 510 : i32
    %add3A_179 = arith.addi %mul3A_2, %add3A_178 : i32
    %dma_start3A_180 = arith.constant 0 : i32
    %dma_start3A_181 = arith.constant 0 : i32
    %dma_start3A_182 = tpu.memref_slice %arg4[%add3A_179, %dma_start3A_180, %dma_start3A_181] : memref<16384x50x32xf32, #tpu.memory_space<hbm>> -> memref<1x50x32xf32, #tpu.memory_space<hbm>>
    %dma_start3A_183 = tpu.memref_squeeze %dma_start3A_182 : memref<1x50x32xf32, #tpu.memory_space<hbm>> -> memref<50x32xf32, #tpu.memory_space<hbm>>
    %dma_start3A_184 = arith.constant 0 : i32
    %dma_start3A_185 = arith.constant 0 : i32
    %dma_start3A_186 = tpu.memref_slice %arg4[%add3A_179, %dma_start3A_184, %dma_start3A_185] : memref<16384x50x32xf32, #tpu.memory_space<hbm>> -> memref<1x50x32xf32, #tpu.memory_space<hbm>>
    %dma_start3A_187 = tpu.memref_squeeze %dma_start3A_186 : memref<1x50x32xf32, #tpu.memory_space<hbm>> -> memref<50x32xf32, #tpu.memory_space<hbm>>
    tpu.enqueue_dma source(%arg12 : memref<50x32xf32, #tpu.memory_space<vmem>>) target(%dma_start3A_187 : memref<50x32xf32, #tpu.memory_space<hbm>>) target_semaphore(%arg28 : memref<!tpu.dma_semaphore, #tpu.memory_space<semaphore_mem>>)
    %dma_wait3A_188 = arith.constant 511 : i32
    %dma_wait3A_189 = arith.constant 0 : i32
    %dma_wait3A_190 = tpu.memref_slice %arg5[%dma_wait3A_188, %dma_wait3A_189] : memref<512x50xi32, #tpu.memory_space<vmem>> -> memref<1x50xi32, #tpu.memory_space<vmem>>
    %dma_wait3A_191 = tpu.memref_squeeze %dma_wait3A_190 : memref<1x50xi32, #tpu.memory_space<vmem>> -> memref<50xi32, #tpu.memory_space<vmem>>
    %dma_wait3A_192 = arith.constant 0 : i32
    %dma_wait3A_193 = arith.constant 0 : i32
    %dma_wait3A_194 = tpu.memref_slice %arg2[%dma_wait3A_192, %dma_wait3A_193] : memref<1000000x32xf32, #tpu.memory_space<hbm>> -> memref<1000000x32xf32, #tpu.memory_space<hbm>>
    tpu.wait_indirect_dma semaphore(%arg21 : memref<!tpu.dma_semaphore, #tpu.memory_space<semaphore_mem>>) src(%dma_wait3A_194 : memref<1000000x32xf32, #tpu.memory_space<hbm>>) dst(%arg13 : memref<50x32xf32, #tpu.memory_space<vmem>>)
    %add3A_195 = arith.constant 511 : i32
    %add3A_196 = arith.addi %mul3A_2, %add3A_195 : i32
    %dma_start3A_197 = arith.constant 0 : i32
    %dma_start3A_198 = arith.constant 0 : i32
    %dma_start3A_199 = tpu.memref_slice %arg4[%add3A_196, %dma_start3A_197, %dma_start3A_198] : memref<16384x50x32xf32, #tpu.memory_space<hbm>> -> memref<1x50x32xf32, #tpu.memory_space<hbm>>
    %dma_start3A_200 = tpu.memref_squeeze %dma_start3A_199 : memref<1x50x32xf32, #tpu.memory_space<hbm>> -> memref<50x32xf32, #tpu.memory_space<hbm>>
    %dma_start3A_201 = arith.constant 0 : i32
    %dma_start3A_202 = arith.constant 0 : i32
    %dma_start3A_203 = tpu.memref_slice %arg4[%add3A_196, %dma_start3A_201, %dma_start3A_202] : memref<16384x50x32xf32, #tpu.memory_space<hbm>> -> memref<1x50x32xf32, #tpu.memory_space<hbm>>
    %dma_start3A_204 = tpu.memref_squeeze %dma_start3A_203 : memref<1x50x32xf32, #tpu.memory_space<hbm>> -> memref<50x32xf32, #tpu.memory_space<hbm>>
    tpu.enqueue_dma source(%arg13 : memref<50x32xf32, #tpu.memory_space<vmem>>) target(%dma_start3A_204 : memref<50x32xf32, #tpu.memory_space<hbm>>) target_semaphore(%arg29 : memref<!tpu.dma_semaphore, #tpu.memory_space<semaphore_mem>>)
    %add3A_205 = arith.constant 504 : i32
    %add3A_206 = arith.addi %mul3A_2, %add3A_205 : i32
    %dma_wait3A_207 = arith.constant 0 : i32
    %dma_wait3A_208 = arith.constant 0 : i32
    %dma_wait3A_209 = tpu.memref_slice %arg4[%add3A_206, %dma_wait3A_207, %dma_wait3A_208] : memref<16384x50x32xf32, #tpu.memory_space<hbm>> -> memref<1x50x32xf32, #tpu.memory_space<hbm>>
    %dma_wait3A_210 = tpu.memref_squeeze %dma_wait3A_209 : memref<1x50x32xf32, #tpu.memory_space<hbm>> -> memref<50x32xf32, #tpu.memory_space<hbm>>
    %dma_wait3A_211 = arith.constant 0 : i32
    %dma_wait3A_212 = arith.constant 0 : i32
    %dma_wait3A_213 = tpu.memref_slice %arg4[%add3A_206, %dma_wait3A_211, %dma_wait3A_212] : memref<16384x50x32xf32, #tpu.memory_space<hbm>> -> memref<1x50x32xf32, #tpu.memory_space<hbm>>
    %dma_wait3A_214 = tpu.memref_squeeze %dma_wait3A_213 : memref<1x50x32xf32, #tpu.memory_space<hbm>> -> memref<50x32xf32, #tpu.memory_space<hbm>>
    tpu.wait_dma2 semaphore(%arg22 : memref<!tpu.dma_semaphore, #tpu.memory_space<semaphore_mem>>) src(%arg6 : memref<50x32xf32, #tpu.memory_space<vmem>>) dst(%dma_wait3A_214 : memref<50x32xf32, #tpu.memory_space<hbm>>)
    %add3A_215 = arith.constant 505 : i32
    %add3A_216 = arith.addi %mul3A_2, %add3A_215 : i32
    %dma_wait3A_217 = arith.constant 0 : i32
    %dma_wait3A_218 = arith.constant 0 : i32
    %dma_wait3A_219 = tpu.memref_slice %arg4[%add3A_216, %dma_wait3A_217, %dma_wait3A_218] : memref<16384x50x32xf32, #tpu.memory_space<hbm>> -> memref<1x50x32xf32, #tpu.memory_space<hbm>>
    %dma_wait3A_220 = tpu.memref_squeeze %dma_wait3A_219 : memref<1x50x32xf32, #tpu.memory_space<hbm>> -> memref<50x32xf32, #tpu.memory_space<hbm>>
    %dma_wait3A_221 = arith.constant 0 : i32
    %dma_wait3A_222 = arith.constant 0 : i32
    %dma_wait3A_223 = tpu.memref_slice %arg4[%add3A_216, %dma_wait3A_221, %dma_wait3A_222] : memref<16384x50x32xf32, #tpu.memory_space<hbm>> -> memref<1x50x32xf32, #tpu.memory_space<hbm>>
    %dma_wait3A_224 = tpu.memref_squeeze %dma_wait3A_223 : memref<1x50x32xf32, #tpu.memory_space<hbm>> -> memref<50x32xf32, #tpu.memory_space<hbm>>
    tpu.wait_dma2 semaphore(%arg23 : memref<!tpu.dma_semaphore, #tpu.memory_space<semaphore_mem>>) src(%arg7 : memref<50x32xf32, #tpu.memory_space<vmem>>) dst(%dma_wait3A_224 : memref<50x32xf32, #tpu.memory_space<hbm>>)
    %add3A_225 = arith.constant 506 : i32
    %add3A_226 = arith.addi %mul3A_2, %add3A_225 : i32
    %dma_wait3A_227 = arith.constant 0 : i32
    %dma_wait3A_228 = arith.constant 0 : i32
    %dma_wait3A_229 = tpu.memref_slice %arg4[%add3A_226, %dma_wait3A_227, %dma_wait3A_228] : memref<16384x50x32xf32, #tpu.memory_space<hbm>> -> memref<1x50x32xf32, #tpu.memory_space<hbm>>
    %dma_wait3A_230 = tpu.memref_squeeze %dma_wait3A_229 : memref<1x50x32xf32, #tpu.memory_space<hbm>> -> memref<50x32xf32, #tpu.memory_space<hbm>>
    %dma_wait3A_231 = arith.constant 0 : i32
    %dma_wait3A_232 = arith.constant 0 : i32
    %dma_wait3A_233 = tpu.memref_slice %arg4[%add3A_226, %dma_wait3A_231, %dma_wait3A_232] : memref<16384x50x32xf32, #tpu.memory_space<hbm>> -> memref<1x50x32xf32, #tpu.memory_space<hbm>>
    %dma_wait3A_234 = tpu.memref_squeeze %dma_wait3A_233 : memref<1x50x32xf32, #tpu.memory_space<hbm>> -> memref<50x32xf32, #tpu.memory_space<hbm>>
    tpu.wait_dma2 semaphore(%arg24 : memref<!tpu.dma_semaphore, #tpu.memory_space<semaphore_mem>>) src(%arg8 : memref<50x32xf32, #tpu.memory_space<vmem>>) dst(%dma_wait3A_234 : memref<50x32xf32, #tpu.memory_space<hbm>>)
    %add3A_235 = arith.constant 507 : i32
    %add3A_236 = arith.addi %mul3A_2, %add3A_235 : i32
    %dma_wait3A_237 = arith.constant 0 : i32
    %dma_wait3A_238 = arith.constant 0 : i32
    %dma_wait3A_239 = tpu.memref_slice %arg4[%add3A_236, %dma_wait3A_237, %dma_wait3A_238] : memref<16384x50x32xf32, #tpu.memory_space<hbm>> -> memref<1x50x32xf32, #tpu.memory_space<hbm>>
    %dma_wait3A_240 = tpu.memref_squeeze %dma_wait3A_239 : memref<1x50x32xf32, #tpu.memory_space<hbm>> -> memref<50x32xf32, #tpu.memory_space<hbm>>
    %dma_wait3A_241 = arith.constant 0 : i32
    %dma_wait3A_242 = arith.constant 0 : i32
    %dma_wait3A_243 = tpu.memref_slice %arg4[%add3A_236, %dma_wait3A_241, %dma_wait3A_242] : memref<16384x50x32xf32, #tpu.memory_space<hbm>> -> memref<1x50x32xf32, #tpu.memory_space<hbm>>
    %dma_wait3A_244 = tpu.memref_squeeze %dma_wait3A_243 : memref<1x50x32xf32, #tpu.memory_space<hbm>> -> memref<50x32xf32, #tpu.memory_space<hbm>>
    tpu.wait_dma2 semaphore(%arg25 : memref<!tpu.dma_semaphore, #tpu.memory_space<semaphore_mem>>) src(%arg9 : memref<50x32xf32, #tpu.memory_space<vmem>>) dst(%dma_wait3A_244 : memref<50x32xf32, #tpu.memory_space<hbm>>)
    %add3A_245 = arith.constant 508 : i32
    %add3A_246 = arith.addi %mul3A_2, %add3A_245 : i32
    %dma_wait3A_247 = arith.constant 0 : i32
    %dma_wait3A_248 = arith.constant 0 : i32
    %dma_wait3A_249 = tpu.memref_slice %arg4[%add3A_246, %dma_wait3A_247, %dma_wait3A_248] : memref<16384x50x32xf32, #tpu.memory_space<hbm>> -> memref<1x50x32xf32, #tpu.memory_space<hbm>>
    %dma_wait3A_250 = tpu.memref_squeeze %dma_wait3A_249 : memref<1x50x32xf32, #tpu.memory_space<hbm>> -> memref<50x32xf32, #tpu.memory_space<hbm>>
    %dma_wait3A_251 = arith.constant 0 : i32
    %dma_wait3A_252 = arith.constant 0 : i32
    %dma_wait3A_253 = tpu.memref_slice %arg4[%add3A_246, %dma_wait3A_251, %dma_wait3A_252] : memref<16384x50x32xf32, #tpu.memory_space<hbm>> -> memref<1x50x32xf32, #tpu.memory_space<hbm>>
    %dma_wait3A_254 = tpu.memref_squeeze %dma_wait3A_253 : memref<1x50x32xf32, #tpu.memory_space<hbm>> -> memref<50x32xf32, #tpu.memory_space<hbm>>
    tpu.wait_dma2 semaphore(%arg26 : memref<!tpu.dma_semaphore, #tpu.memory_space<semaphore_mem>>) src(%arg10 : memref<50x32xf32, #tpu.memory_space<vmem>>) dst(%dma_wait3A_254 : memref<50x32xf32, #tpu.memory_space<hbm>>)
    %add3A_255 = arith.constant 509 : i32
    %add3A_256 = arith.addi %mul3A_2, %add3A_255 : i32
    %dma_wait3A_257 = arith.constant 0 : i32
    %dma_wait3A_258 = arith.constant 0 : i32
    %dma_wait3A_259 = tpu.memref_slice %arg4[%add3A_256, %dma_wait3A_257, %dma_wait3A_258] : memref<16384x50x32xf32, #tpu.memory_space<hbm>> -> memref<1x50x32xf32, #tpu.memory_space<hbm>>
    %dma_wait3A_260 = tpu.memref_squeeze %dma_wait3A_259 : memref<1x50x32xf32, #tpu.memory_space<hbm>> -> memref<50x32xf32, #tpu.memory_space<hbm>>
    %dma_wait3A_261 = arith.constant 0 : i32
    %dma_wait3A_262 = arith.constant 0 : i32
    %dma_wait3A_263 = tpu.memref_slice %arg4[%add3A_256, %dma_wait3A_261, %dma_wait3A_262] : memref<16384x50x32xf32, #tpu.memory_space<hbm>> -> memref<1x50x32xf32, #tpu.memory_space<hbm>>
    %dma_wait3A_264 = tpu.memref_squeeze %dma_wait3A_263 : memref<1x50x32xf32, #tpu.memory_space<hbm>> -> memref<50x32xf32, #tpu.memory_space<hbm>>
    tpu.wait_dma2 semaphore(%arg27 : memref<!tpu.dma_semaphore, #tpu.memory_space<semaphore_mem>>) src(%arg11 : memref<50x32xf32, #tpu.memory_space<vmem>>) dst(%dma_wait3A_264 : memref<50x32xf32, #tpu.memory_space<hbm>>)
    %add3A_265 = arith.constant 510 : i32
    %add3A_266 = arith.addi %mul3A_2, %add3A_265 : i32
    %dma_wait3A_267 = arith.constant 0 : i32
    %dma_wait3A_268 = arith.constant 0 : i32
    %dma_wait3A_269 = tpu.memref_slice %arg4[%add3A_266, %dma_wait3A_267, %dma_wait3A_268] : memref<16384x50x32xf32, #tpu.memory_space<hbm>> -> memref<1x50x32xf32, #tpu.memory_space<hbm>>
    %dma_wait3A_270 = tpu.memref_squeeze %dma_wait3A_269 : memref<1x50x32xf32, #tpu.memory_space<hbm>> -> memref<50x32xf32, #tpu.memory_space<hbm>>
    %dma_wait3A_271 = arith.constant 0 : i32
    %dma_wait3A_272 = arith.constant 0 : i32
    %dma_wait3A_273 = tpu.memref_slice %arg4[%add3A_266, %dma_wait3A_271, %dma_wait3A_272] : memref<16384x50x32xf32, #tpu.memory_space<hbm>> -> memref<1x50x32xf32, #tpu.memory_space<hbm>>
    %dma_wait3A_274 = tpu.memref_squeeze %dma_wait3A_273 : memref<1x50x32xf32, #tpu.memory_space<hbm>> -> memref<50x32xf32, #tpu.memory_space<hbm>>
    tpu.wait_dma2 semaphore(%arg28 : memref<!tpu.dma_semaphore, #tpu.memory_space<semaphore_mem>>) src(%arg12 : memref<50x32xf32, #tpu.memory_space<vmem>>) dst(%dma_wait3A_274 : memref<50x32xf32, #tpu.memory_space<hbm>>)
    %add3A_275 = arith.constant 511 : i32
    %add3A_276 = arith.addi %mul3A_2, %add3A_275 : i32
    %dma_wait3A_277 = arith.constant 0 : i32
    %dma_wait3A_278 = arith.constant 0 : i32
    %dma_wait3A_279 = tpu.memref_slice %arg4[%add3A_276, %dma_wait3A_277, %dma_wait3A_278] : memref<16384x50x32xf32, #tpu.memory_space<hbm>> -> memref<1x50x32xf32, #tpu.memory_space<hbm>>
    %dma_wait3A_280 = tpu.memref_squeeze %dma_wait3A_279 : memref<1x50x32xf32, #tpu.memory_space<hbm>> -> memref<50x32xf32, #tpu.memory_space<hbm>>
    %dma_wait3A_281 = arith.constant 0 : i32
    %dma_wait3A_282 = arith.constant 0 : i32
    %dma_wait3A_283 = tpu.memref_slice %arg4[%add3A_276, %dma_wait3A_281, %dma_wait3A_282] : memref<16384x50x32xf32, #tpu.memory_space<hbm>> -> memref<1x50x32xf32, #tpu.memory_space<hbm>>
    %dma_wait3A_284 = tpu.memref_squeeze %dma_wait3A_283 : memref<1x50x32xf32, #tpu.memory_space<hbm>> -> memref<50x32xf32, #tpu.memory_space<hbm>>
    tpu.wait_dma2 semaphore(%arg29 : memref<!tpu.dma_semaphore, #tpu.memory_space<semaphore_mem>>) src(%arg13 : memref<50x32xf32, #tpu.memory_space<vmem>>) dst(%dma_wait3A_284 : memref<50x32xf32, #tpu.memory_space<hbm>>)
    return
  }
}

</mosaic_0001>

<sc_bundles>
// kernel: kernel.3.cloned.1.call-start
scs
__scs_entry_jumppad:
0x0: {  	(pc) =	sbr.rel $0x88, $3  }
0x1: {  	(tag) =	ssettag $0x0;
	lr =	simm.s32 $0x1  }
0x2: {  	[smem:$0x3F9F] =	sst lr;
	_ =	strace $0xD0000000  }
0x3: {  	_ = 	snop  }
0x4: {  	_ = 	snop  }
0x5: {  	_ = 	snop  }
0x6: {  	_ = 	snop  }
0x7: {  	_ = 	snop  }
__scs_overlays_trampoline_lowered:
0x8: {  	[smem:$0x3FAE] =	sst s0  }
0x9: {  	[smem:$0x3FAF] =	sst s1  }
0xa: {  	[smem:$0x3FB0] =	sst s2  }
0xb: {  	[smem:$0x3FB1] =	sst s3  }
0xc: {  	[smem:$0x3FB2] =	sst s4  }
0xd: {  	[smem:$0x3FB3] =	sst s5  }
0xe: {  	[smem:$0x3FB4] =	sst s6  }
0xf: {  	[smem:$0x3FB5] =	sst s7  }
0x10: {  	[smem:$0x3FB6] =	sst s8  }
0x11: {  	[smem:$0x3FB7] =	sst s9;
	s0 =	simm.s32 @!p0 $0x0  }
0x12: {  	s1 =	sld [smem:$0x3F9D];
	s0 =	simm.s32 @p0 $0x1  }
0x13: {  	[smem:$0x3FB8] =	sst s0;
	s0 =	simm.s32 @!p1 $0x0  }
0x14: {  	s2 =	sld [smem:$0x3F9C];
	s0 =	simm.s32 @p1 $0x1  }
0x15: {  	[smem:$0x3FB9] =	sst s0;
	s0 =	simm.s32 @!p2 $0x0  }
0x16: {  	s3 =	sld [smem:$0x3FDB];
	s0 =	simm.s32 @p2 $0x1  }
0x17: {  	s4 =	simm.s32 $0x1BF5;
	[smem:$0x3FBB] =	sst s0  }
0x18: {  	s0 =	sld [smem:$0x3F9E];
	_ =	swait.ge [sflag:s4], $0x0  }
0x19: {  	s7 =	sld [smem:$0x3F9F]  }
0x1a: {  	s8 =	sadd.s32 $0xFFFFE003, lr  }
0x1b: {  	s9 =	sadd.s32 $0xFFFFFEF7, lr;
	s5 =	simm.s32 $0xFFFFFFFF;
	p2 =	slt.u32 s8, $0xFFFFF086  }
0x1c: {  	p1 =	slt.u32 s9, $0xF7A;
	s5 =	simm.s32 @!p2 $0x0  }
0x1d: {  	s5 =	simm.s32 @p1 $0x1;
	p0 =	seq.s32 s7, s2  }
0x1e: {  	s7 =	smul.u32 @!p0 $0xF7A, s2;
	p2 =	seq.s32 @!p0 s5, $0x0  }
0x1f: {  	s9 =	smul.u32 $0xF7A, s1;
	s8 =	simm.s32 @!p0 $0x1BF5;
	p2 =	por !p2, p0  }
0x20: {  	[sflag:s8] =	ssyncset.s32 @!p0 $0xFFFFF086;
	s6 =	sadd.s32 @!p0 s3, s7;
	s7 =	simm.s32 @!p0 $0x108  }
0x21: {  	s3 =	sadd.s32 s3, s9;
	s6 =	sadd.s32 @!p0 $0x88, s6;
	s7 =	simm.s32 @p2 $0x1082  }
0x22: {  	[simem:s7], [sflag:s8] =	dma.local @!p0 [hbm:s6], $0xF7A  }
0x23: {  	s9 =	sor.u32 $0xD0000000, s2;
	s6 =	simm.s32 $0x108;
	_ =	swait.ge @!p0 [sflag:s8], $0x0  }
0x24: {  	s3 =	sadd.s32 $0x88, s3;
	s6 =	simm.s32 @!p1 $0x1082;
	[sflag:s4] =	ssyncset.s32 $0xFFFFF086  }
0x25: {  	[simem:s6], [sflag:s4] =	dma.local [hbm:s3], $0xF7A  }
0x26: {  	[smem:$0x3F9F] =	sst s1;
	(tag) =	ssettag s2;
	_ =	strace s9  }
0x27: {  	s1 =	sld [smem:$0x3FAF]  }
0x28: {  	s2 =	sld [smem:$0x3FB0]  }
0x29: {  	s4 =	sld [smem:$0x3FB2]  }
0x2a: {  	p0 =	seq.s32 s5, $0x0;
	s5 =	sld [smem:$0x3FB3]  }
0x2b: {  	s6 =	sld [smem:$0x3FB4]  }
0x2c: {  	s7 =	sld [smem:$0x3FB5]  }
0x2d: {  	s3 =	simm.s32 $0x108;
	s8 =	sld [smem:$0x3FB6]  }
0x2e: {  	s3 =	simm.s32 @!p0 $0x1082;
	s9 =	sld [smem:$0x3FB7]  }
0x2f: {  	lr =	sadd.s32 s0, s3;
	s0 =	sld [smem:$0x3FAE]  }
0x30: {  	s3 =	sld [smem:$0x3FB1]  }
0x31: {  	[smem:$0x3FBA] =	sst s10  }
0x32: {  	s10 =	sld [smem:$0x3FB8];
	_ =	sdelay $0x3  }
0x33: {  	p0 =	seq.s32 s10, $0x1;
	s10 =	sld [smem:$0x3FBA];
	_ =	sdelay $0x3  }
0x34: {  	[smem:$0x3FBA] =	sst s10  }
0x35: {  	s10 =	sld [smem:$0x3FB9];
	_ =	sdelay $0x3  }
0x36: {  	p1 =	seq.s32 s10, $0x1;
	s10 =	sld [smem:$0x3FBA];
	_ =	sdelay $0x3  }
0x37: {  	[smem:$0x3FBA] =	sst s10  }
0x38: {  	s10 =	sld [smem:$0x3FBB]  }
0x39: {  	_ = 	snop;
	(pc) =	sbr.ind lr, $3  }
0x3a: {  	_ = 	snop  }
0x3b: {  	_ = 	snop  }
0x3c: {  	p2 =	seq.s32 s10, $0x1;
	s10 =	sld [smem:$0x3FBA]  }
0x3d: {  	_ =	shalt  }
0x3e: {  	_ =	shalt  }
0x3f: {  	_ =	shalt  }
0x40: {  	_ =	shalt  }
0x41: {  	_ =	shalt  }
0x42: {  	_ =	shalt  }
0x43: {  	_ =	shalt  }
0x44: {  	_ =	shalt  }
0x45: {  	_ =	shalt  }
0x46: {  	_ =	shalt  }
0x47: {  	_ =	shalt  }
0x48: {  	_ =	shalt  }
0x49: {  	_ =	shalt  }
0x4a: {  	_ =	shalt  }
0x4b: {  	_ =	shalt  }
0x4c: {  	_ =	shalt  }
0x4d: {  	_ =	shalt  }
0x4e: {  	_ =	shalt  }
0x4f: {  	_ =	shalt  }
0x50: {  	_ =	shalt  }
0x51: {  	_ =	shalt  }
0x52: {  	_ =	shalt  }
0x53: {  	_ =	shalt  }
0x54: {  	_ =	shalt  }
0x55: {  	_ =	shalt  }
0x56: {  	_ =	shalt  }
0x57: {  	_ =	shalt  }
0x58: {  	_ =	shalt  }
0x59: {  	_ =	shalt  }
0x5a: {  	_ =	shalt  }
0x5b: {  	_ =	shalt  }
0x5c: {  	_ =	shalt  }
0x5d: {  	_ =	shalt  }
0x5e: {  	_ =	shalt  }
0x5f: {  	_ =	shalt  }
0x60: {  	_ =	shalt  }
0x61: {  	_ =	shalt  }
0x62: {  	_ =	shalt  }
0x63: {  	_ =	shalt  }
0x64: {  	_ =	shalt  }
0x65: {  	_ =	shalt  }
0x66: {  	_ =	shalt  }
0x67: {  	_ =	shalt  }
0x68: {  	_ =	shalt  }
0x69: {  	_ =	shalt  }
0x6a: {  	_ =	shalt  }
0x6b: {  	_ =	shalt  }
0x6c: {  	_ =	shalt  }
0x6d: {  	_ =	shalt  }
0x6e: {  	_ =	shalt  }
0x6f: {  	_ =	shalt  }
0x70: {  	_ =	shalt  }
0x71: {  	_ =	shalt  }
0x72: {  	_ =	shalt  }
0x73: {  	_ =	shalt  }
0x74: {  	_ =	shalt  }
0x75: {  	_ =	shalt  }
0x76: {  	_ =	shalt  }
0x77: {  	_ =	shalt  }
0x78: {  	_ =	shalt  }
0x79: {  	_ =	shalt  }
0x7a: {  	_ =	shalt  }
0x7b: {  	_ =	shalt  }
0x7c: {  	_ =	shalt  }
0x7d: {  	_ =	shalt  }
0x7e: {  	_ =	shalt  }
0x7f: {  	_ =	shalt  }
0x80: {  	_ =	shalt  }
0x81: {  	_ =	shalt  }
0x82: {  	_ =	shalt  }
0x83: {  	_ =	shalt  }
0x84: {  	_ =	shalt  }
0x85: {  	_ =	shalt  }
0x86: {  	_ =	shalt  }
0x87: {  	_ =	shalt  }
.Lfunc_end0:
.L_simem_size_0:
called_computation.1_lowered:
.L_overlay_start_0:
0x88: {  	s2 =	sld [smem:$0x3FD9]  }
0x89: {  	s3 =	sld [smem:$0x3FFE];
	_ =	sdelay $0x1  }
0x8a: {  	s1 =	srdreg.scid  }
0x8b: {  	s0 =	sand.u32 $0x1, s1  }
0x8c: {  	s17 =	sshll.u32 s0, $0xA;
	s2 =	sadd.s32 s3, s2  }
0x8d: {  	s2 =	sadd.s32 s2, s17  }
0x8e: {  	[smem:$0x3FC6] =	sst s2  }
0x8f: {  	_ = 	snop  }
0x90: {  	s2 =	sld [smem:$0x3FD0];
	(tm) =	ssettm $0x1  }
0x91: {  	s18 =	sld [smem:$0x3FFB];
	_ =	sdelay $0x3  }
0x92: {  	_ =	strace s18  }
0x93: {  	s3 =	sld [smem:$0x3FFC];
	_ =	sdelay $0x3  }
0x94: {  	_ =	strace s3  }
0x95: {  	s3 =	sld [smem:$0x3FFD];
	_ =	sdelay $0x3  }
0x96: {  	_ =	strace s3  }
0x97: {  	_ =	strace $0x8FFFFFFF  }
0x98: {  	s19 =	sld [smem:$0x3FDB];
	_ =	sdelay $0x1  }
0x99: {  	s4 =	simm.s32 $_scs_section_size  }
0x9a: {  	s5 =	simm.s32 $_size__tile_overlayer_lowered;
	s6 =	simm.s32 $_tile_overlayer_lowered  }
0x9b: {  	s22 =	simm.s32 $0x1BFF;
	s21 =	sshll.u32 s6, $0x1;
	s3 =	sadd.s32 s4, s19  }
0x9c: {  	s7 =	simm.s32 $0x0;
	s20 =	sshll.u32 s5, $0x1;
	s5 =	sadd.s32 s21, s3  }
0x9d: {  	[timem:s7], [sflag:s22] =	dma.local [hbm:s5], s20  }
0x9e: {  	_ =	swait.ge [sflag:s22], s20  }
0x9f: {  	s4 =	ssub.s32 $0x0, s20;
	[sflag:s22] =	ssyncset.done $0x0  }
0xa0: {  	[sflag:s22] =	ssyncadd.s32 s4;
	_ =	sdelay $0x1  }
0xa1: {  	s23 =	simm.s32 $0x1B8B  }
0xa2: {  	_ =	swait.ge [sflag:s23], $0x1  }
0xa3: {  	[sflag:s23] =	ssyncset.done $0x0  }
0xa4: {  	s25 =	simm.s32 $0x1B8E;
	s24 =	sld [smem:$0x3FFE];
	[sflag:s23] =	ssyncadd.s32 $0xFFFFFFFF  }
0xa5: {  	s26 =	simm.s32 $execute0_lowered;
	[smem:$0x3FD2] =	sst s25  }
0xa6: {  	s5 =	sshll.u32 s26, $0x1;
	_ =	strace $0x80000046;
	[dreg:$0x1] =	wrdreg $0xFFFFFFFF  }
0xa7: {  	s28 =	simm.s32 $_size_execute0_lowered;
	s3 =	sadd.s32 s3, s5;
	[dreg:$0x0] =	wrdreg $0x0  }
0xa8: {  	s5 =	sshll.u32 s28, $0x1;
	[dreg:$0x2] =	wrdreg s3  }
0xa9: {  	[dreg:$0x3] =	wrdreg s5  }
0xaa: {  	[dreg:$0x4] =	wrdreg $0xC0  }
0xab: {  	_ =	task [dreg:s7], $0x5FFFF  }
0xac: {  	[dreg:$0x1] =	wrdreg $0xFFFFFFFF  }
0xad: {  	[dreg:$0x0] =	wrdreg $0x60  }
0xae: {  	[dreg:$0x2] =	wrdreg s24  }
0xaf: {  	[dreg:$0x3] =	wrdreg s2  }
0xb0: {  	[dreg:$0x4] =	wrdreg $0x9  }
0xb1: {  	_ =	task.clear_ibuf [dreg:s7], $0x5FFFF;
	_ =	strace $0x90000046  }
0xb2: {  	s29 =	simm.s32 $0x9;
	_ =	strace $0x80000048  }
0xb3: {  	_ =	swait.ge [sflag:s29], $0x1  }
0xb4: {  	[sflag:s29] =	ssyncadd.s32 $0xFFFFFFFF  }
0xb5: {  	_ =	strace $0x90000048  }
0xb6: {  	_ =	sfence  }
0xb7: {  	s30 =	sld [smem:$0x0];
	_ =	sdelay $0x2  }
0xb8: {  	s31 =	sshll.u32 s1, $0xD;
	s1 =	sshrl.u32 s1, $0x2  }
0xb9: {  	s3 =	sand.u32 $0x4000, s31;
	s1 =	sadd.s32 s1, s30  }
0xba: {  	s0 =	sor.u32 s3, s0;
	s1 =	sshll.u32 s1, $0x11  }
0xbb: {  	s0 =	sor.u32 s1, s0  }
0xbc: {  	s0 =	sadd.s32 $0x8F2B, s0  }
0xbd: {  	[sflag:s0] =	ssyncadd.remote.s32 $0x1  }
0xbe: {  	_ =	sfence.sel $0xFFFF  }
0xbf: {  	[dreg:$0x0] =	wrdreg $0xFFFFFFFF;
	(pc) =	sbr.abs _section_cstart, $3  }
0xc0: {  	[dreg:$0x1] =	wrdreg $0xFFFFFFFF  }
0xc1: {  	_ =	task.clear_ibuf [dreg:s7], $0x2FFFF;
	_ =	strace $0x9FFFFFFF  }
0xc2: {  	(tm) =	ssettm $0x7FFFFFFF  }
0xc3: {  	_ =	shalt  }
tec
execute0_lowered:
.L_overlay_start_1:
0x0: {  	(tag) =	ssettag $0x1  }
0x1: {  	s0 =	srdreg.scid;
	s1 =	rddreg [dreg:$0x0]  }
0x2: {  	s9 =	stileid.u32;
	s4 =	rddreg [dreg:$0x1];
	s2 =	simm.s32 $0x0  }
0x3: {  	s16 =	simm.s32 $0x32;
	s28 =	simm.s32 $0x8F40;
	s30 =	simm.s32 $0x9580  }
0x4: {  	s29 =	simm.s32 $0x7;
	s31 =	simm.s32 $0x8;
	s0 =	sand.u32 $0x1, s0  }
0x5: {  	s10 =	simm.s32 $0xF;
	s3 =	sshll.u32 s9, $0xA;
	s5 =	sshll.u32 s0, $0x9  }
0x6: {  	s11 =	simm.s32 $0x10;
	s22 =	smul.u32 $0x32000, s9;
	s3 =	sor.u32 s5, s3  }
0x7: {  	s13 =	simm.s32 $0x0;
	s7 =	ssub.s32 $0x2, s0;
	s5 =	smul.u32 $0x640, s3  }
0x8: {  	[smem:$0x7FF] =	sst s2;
	s8 =	sshrl.u32 s7, $0x1;
	s6 =	smul.u32 $0x7, s3  }
0x9: {  	_ =	strace $0x80000047;
	s3 =	sadd.s32 $0xF42E00, s1;
	s17 =	ssub.s32 s7, s8  }
0xa: {  	s26 =	smax.u32 s17, $0x1;
	s5 =	sshrl.u32 s5, $0x3;
	s1 =	sadd.s32 s6, s1  }
0xb: {  	[dreg:$0xc] =	wrdreg s26;
	s5 =	sadd.s32 s4, s5;
	s1 =	sadd.s32 $0xA00, s1  }
0xc: {  	s9 =	simm.s32 $0xE;
	[dreg:$0x3] =	wrdreg s1;
	s18 =	sadd.s32 $0x189C0, s5  }
0xd: {  	s0 =	smul.u32 $0x19000, s0;
	s19 =	sadd.s32 $0x18A88, s5;
	[dreg:$0x4] =	wrdreg s18  }
0xe: {  	s7 =	simm.s32 $0xC;
	s20 =	sadd.s32 $0x18B50, s5;
	[dreg:$0x5] =	wrdreg s19  }
0xf: {  	s8 =	simm.s32 $0xD;
	s21 =	sadd.s32 $0x18C18, s5;
	[dreg:$0x6] =	wrdreg s20  }
0x10: {  	s17 =	simm.s32 $0x7000;
	s23 =	sadd.s32 $0x18CE0, s5;
	[dreg:$0x7] =	wrdreg s21  }
0x11: {  	s26 =	simm.s32 $0x6;
	s24 =	sadd.s32 $0x18DA8, s5;
	[dreg:$0x8] =	wrdreg s23  }
0x12: {  	s6 =	simm.s32 $0xB;
	s25 =	sadd.s32 $0x18E70, s5;
	[dreg:$0x9] =	wrdreg s24  }
0x13: {  	s5 =	sadd.s32 $0x18F38, s5;
	s1 =	sadd.s32 s22, s4;
	[dreg:$0xa] =	wrdreg s25  }
0x14: {  	s22 =	simm.s32 $0x4;
	s4 =	simm.s32 $0x9;
	[dreg:$0xb] =	wrdreg s5  }
0x15: {  	s0 =	sadd.s32 s0, s1;
	s19 =	simm.s32 $0x7640;
	s21 =	simm.s32 $0x7C80  }
0x16: {  	s23 =	simm.s32 $0x82C0;
	s25 =	simm.s32 $0x8900;
	s1 =	simm.s32 $0x9BC0  }
0x17: {  	s18 =	simm.s32 $0x2;
	s20 =	simm.s32 $0x3;
	s24 =	simm.s32 $0x5  }
0x18: {  	s5 =	simm.s32 $0xA;
	[dreg:$0xd] =	wrdreg s0;
	s0 =	simm.s32 $0x1  }
.LBB2_1:
0x19: {  	[dreg:$0xe] =	wrdreg s13  }
0x1a: {  	s12 =	rddreg [dreg:$0x3];
	s14 =	simm.s32 $0x11  }
0x1b: {  	[tilespmem:s2], [sflag:$0x11] =	stream.linear.gather [hbm4b:s12+s2], $0x7000, $0x38;
	[tilespmem:$0xA200] =	vst v63  }
0x1c: {  	_ =	swait.ge [sflag:s14], $0x7000  }
0x1d: {  	[sflag:s14] =	ssyncset.done $0x0  }
0x1e: {  	[sflag:s14] =	ssyncadd.s32 $0xFFFF9000  }
0x1f: {  	[tilespmem:s17], [sflag:$0x1] =	stream.indirect.gather [hbm4b:s3+s16], $0x20, s2, s16, $0xb8;
	[tilespmem:$0xA200] =	vst v63  }
0x20: {  	s15 =	simm.s32 $0x38  }
0x21: {  	[tilespmem:s19], [sflag:$0x2] =	stream.indirect.gather [hbm4b:s3+s16], $0x20, s15, s16, $0xb8;
	[tilespmem:$0xA200] =	vst v63  }
0x22: {  	s13 =	simm.s32 $0x70  }
0x23: {  	[tilespmem:s21], [sflag:$0x3] =	stream.indirect.gather [hbm4b:s3+s16], $0x20, s13, s16, $0xb8;
	[tilespmem:$0xA200] =	vst v63  }
0x24: {  	s14 =	simm.s32 $0xA8  }
0x25: {  	[tilespmem:s23], [sflag:$0x4] =	stream.indirect.gather [hbm4b:s3+s16], $0x20, s14, s16, $0xb8;
	[tilespmem:$0xA200] =	vst v63  }
0x26: {  	s15 =	simm.s32 $0xE0  }
0x27: {  	[tilespmem:s25], [sflag:$0x5] =	stream.indirect.gather [hbm4b:s3+s16], $0x20, s15, s16, $0xb8;
	[tilespmem:$0xA200] =	vst v63  }
0x28: {  	s13 =	simm.s32 $0x118  }
0x29: {  	[tilespmem:s28], [sflag:$0x6] =	stream.indirect.gather [hbm4b:s3+s16], $0x20, s13, s16, $0xb8;
	[tilespmem:$0xA200] =	vst v63  }
0x2a: {  	s14 =	simm.s32 $0x150  }
0x2b: {  	[tilespmem:s30], [sflag:$0x7] =	stream.indirect.gather [hbm4b:s3+s16], $0x20, s14, s16, $0xb8;
	[tilespmem:$0xA200] =	vst v63  }
0x2c: {  	s15 =	simm.s32 $0x188  }
0x2d: {  	[tilespmem:s1], [sflag:$0x8] =	stream.indirect.gather [hbm4b:s3+s16], $0x20, s15, s16, $0xb8;
	[tilespmem:$0xA200] =	vst v63  }
0x2e: {  	_ =	swait.ge [sflag:s0], $0x640  }
0x2f: {  	[sflag:s0] =	ssyncset.done $0x0  }
0x30: {  	s14 =	rddreg [dreg:$0xd];
	[sflag:s0] =	ssyncadd.s32 $0xFFFFF9C0  }
0x31: {  	[hbm4b:s14+s2] =	stream.linear.scatter [tilespmem:s17], [sflag:$0x9], $0x640, $0x38;
	[tilespmem:$0xA200] =	vst v63  }
0x32: {  	_ =	swait.ge [sflag:s18], $0x640  }
0x33: {  	[sflag:s18] =	ssyncset.done $0x0  }
0x34: {  	s13 =	sadd.s32 $0xC8, s14;
	[sflag:s18] =	ssyncadd.s32 $0xFFFFF9C0  }
0x35: {  	[hbm4b:s13+s2] =	stream.linear.scatter [tilespmem:s19], [sflag:$0xA], $0x640, $0x38;
	[tilespmem:$0xA200] =	vst v63  }
0x36: {  	_ =	swait.ge [sflag:s20], $0x640  }
0x37: {  	[sflag:s20] =	ssyncset.done $0x0  }
0x38: {  	s15 =	sadd.s32 $0x190, s14;
	[sflag:s20] =	ssyncadd.s32 $0xFFFFF9C0  }
0x39: {  	[hbm4b:s15+s2] =	stream.linear.scatter [tilespmem:s21], [sflag:$0xB], $0x640, $0x38;
	[tilespmem:$0xA200] =	vst v63  }
0x3a: {  	_ =	swait.ge [sflag:s22], $0x640  }
0x3b: {  	[sflag:s22] =	ssyncset.done $0x0  }
0x3c: {  	s13 =	sadd.s32 $0x258, s14;
	[sflag:s22] =	ssyncadd.s32 $0xFFFFF9C0  }
0x3d: {  	[hbm4b:s13+s2] =	stream.linear.scatter [tilespmem:s23], [sflag:$0xC], $0x640, $0x38;
	[tilespmem:$0xA200] =	vst v63  }
0x3e: {  	_ =	swait.ge [sflag:s24], $0x640  }
0x3f: {  	[sflag:s24] =	ssyncset.done $0x0  }
0x40: {  	s15 =	sadd.s32 $0x320, s14;
	[sflag:s24] =	ssyncadd.s32 $0xFFFFF9C0  }
0x41: {  	[hbm4b:s15+s2] =	stream.linear.scatter [tilespmem:s25], [sflag:$0xD], $0x640, $0x38;
	[tilespmem:$0xA200] =	vst v63  }
0x42: {  	_ =	swait.ge [sflag:s26], $0x640  }
0x43: {  	[sflag:s26] =	ssyncset.done $0x0  }
0x44: {  	s13 =	sadd.s32 $0x3E8, s14;
	[sflag:s26] =	ssyncadd.s32 $0xFFFFF9C0  }
0x45: {  	[hbm4b:s13+s2] =	stream.linear.scatter [tilespmem:s28], [sflag:$0xE], $0x640, $0x38;
	[tilespmem:$0xA200] =	vst v63  }
0x46: {  	_ =	swait.ge [sflag:s29], $0x640  }
0x47: {  	[sflag:s29] =	ssyncset.done $0x0  }
0x48: {  	s15 =	sadd.s32 $0x4B0, s14;
	[sflag:s29] =	ssyncadd.s32 $0xFFFFF9C0  }
0x49: {  	[hbm4b:s15+s2] =	stream.linear.scatter [tilespmem:s30], [sflag:$0xF], $0x640, $0x38;
	[tilespmem:$0xA200] =	vst v63  }
0x4a: {  	_ =	swait.ge [sflag:s31], $0x640  }
0x4b: {  	[sflag:s31] =	ssyncset.done $0x0  }
0x4c: {  	s13 =	sadd.s32 $0x578, s14;
	[sflag:s31] =	ssyncadd.s32 $0xFFFFF9C0  }
0x4d: {  	[hbm4b:s13+s2] =	stream.linear.scatter [tilespmem:s1], [sflag:$0x10], $0x640, $0x38;
	[tilespmem:$0xA200] =	vst v63  }
0x4e: {  	_ =	swait.ge [sflag:s4], $0x640  }
0x4f: {  	[sflag:s4] =	ssyncset.done $0x0  }
0x50: {  	s15 =	simm.s32 $0x1C0;
	[sflag:s4] =	ssyncadd.s32 $0xFFFFF9C0  }
0x51: {  	[tilespmem:s17], [sflag:$0x1] =	stream.indirect.gather [hbm4b:s3+s16], $0x20, s15, s16, $0xb8;
	[tilespmem:$0xA200] =	vst v63  }
0x52: {  	_ =	swait.ge [sflag:s5], $0x640  }
0x53: {  	[sflag:s5] =	ssyncset.done $0x0  }
0x54: {  	s13 =	simm.s32 $0x1F8;
	[sflag:s5] =	ssyncadd.s32 $0xFFFFF9C0  }
0x55: {  	[tilespmem:s19], [sflag:$0x2] =	stream.indirect.gather [hbm4b:s3+s16], $0x20, s13, s16, $0xb8;
	[tilespmem:$0xA200] =	vst v63  }
0x56: {  	_ =	swait.ge [sflag:s6], $0x640  }
0x57: {  	[sflag:s6] =	ssyncset.done $0x0  }
0x58: {  	s15 =	simm.s32 $0x230;
	[sflag:s6] =	ssyncadd.s32 $0xFFFFF9C0  }
0x59: {  	[tilespmem:s21], [sflag:$0x3] =	stream.indirect.gather [hbm4b:s3+s16], $0x20, s15, s16, $0xb8;
	[tilespmem:$0xA200] =	vst v63  }
0x5a: {  	_ =	swait.ge [sflag:s7], $0x640  }
0x5b: {  	[sflag:s7] =	ssyncset.done $0x0  }
0x5c: {  	s13 =	simm.s32 $0x268;
	[sflag:s7] =	ssyncadd.s32 $0xFFFFF9C0  }
0x5d: {  	[tilespmem:s23], [sflag:$0x4] =	stream.indirect.gather [hbm4b:s3+s16], $0x20, s13, s16, $0xb8;
	[tilespmem:$0xA200] =	vst v63  }
0x5e: {  	_ =	swait.ge [sflag:s8], $0x640  }
0x5f: {  	[sflag:s8] =	ssyncset.done $0x0  }
0x60: {  	s15 =	simm.s32 $0x2A0;
	[sflag:s8] =	ssyncadd.s32 $0xFFFFF9C0  }
0x61: {  	[tilespmem:s25], [sflag:$0x5] =	stream.indirect.gather [hbm4b:s3+s16], $0x20, s15, s16, $0xb8;
	[tilespmem:$0xA200] =	vst v63  }
0x62: {  	_ =	swait.ge [sflag:s9], $0x640  }
0x63: {  	[sflag:s9] =	ssyncset.done $0x0  }
0x64: {  	s13 =	simm.s32 $0x2D8;
	[sflag:s9] =	ssyncadd.s32 $0xFFFFF9C0  }
0x65: {  	[tilespmem:s28], [sflag:$0x6] =	stream.indirect.gather [hbm4b:s3+s16], $0x20, s13, s16, $0xb8;
	[tilespmem:$0xA200] =	vst v63  }
0x66: {  	_ =	swait.ge [sflag:s10], $0x640  }
0x67: {  	[sflag:s10] =	ssyncset.done $0x0  }
0x68: {  	s15 =	simm.s32 $0x310;
	[sflag:s10] =	ssyncadd.s32 $0xFFFFF9C0  }
0x69: {  	[tilespmem:s30], [sflag:$0x7] =	stream.indirect.gather [hbm4b:s3+s16], $0x20, s15, s16, $0xb8;
	[tilespmem:$0xA200] =	vst v63  }
0x6a: {  	_ =	swait.ge [sflag:s11], $0x640  }
0x6b: {  	s12 =	simm.s32 $0x348;
	[sflag:s11] =	ssyncset.done $0x0  }
0x6c: {  	s13 =	simm.s32 $0x700;
	s15 =	sadd.s32 $0x640, s14;
	[sflag:s11] =	ssyncadd.s32 $0xFFFFF9C0  }
.LBB2_2:
0x6d: {  	[tilespmem:s1], [sflag:$0x8] =	stream.indirect.gather [hbm4b:s3+s16], $0x20, s12, s16, $0xb8;
	[tilespmem:$0xA200] =	vst v63  }
0x6e: {  	s12 =	smov.u32 s13  }
0x6f: {  	p0 =	sne.s32 s13, $0x1B200;
	s13 =	sadd.s32 $0x700, s13;
	_ =	swait.ge [sflag:s0], $0x640  }
0x70: {  	[sflag:s0] =	ssyncset.done $0x0  }
0x71: {  	[sflag:s0] =	ssyncadd.s32 $0xFFFFF9C0  }
0x72: {  	[hbm4b:s15+s2] =	stream.linear.scatter [tilespmem:s17], [sflag:$0x9], $0x640, $0x38;
	[tilespmem:$0xA200] =	vst v63  }
0x73: {  	_ =	swait.ge [sflag:s18], $0x640  }
0x74: {  	[sflag:s18] =	ssyncset.done $0x0  }
0x75: {  	s14 =	sadd.s32 $0xC8, s15;
	[sflag:s18] =	ssyncadd.s32 $0xFFFFF9C0  }
0x76: {  	[hbm4b:s14+s2] =	stream.linear.scatter [tilespmem:s19], [sflag:$0xA], $0x640, $0x38;
	[tilespmem:$0xA200] =	vst v63  }
0x77: {  	_ =	swait.ge [sflag:s20], $0x640  }
0x78: {  	[sflag:s20] =	ssyncset.done $0x0  }
0x79: {  	s14 =	sadd.s32 $0x190, s15;
	[sflag:s20] =	ssyncadd.s32 $0xFFFFF9C0  }
0x7a: {  	[hbm4b:s14+s2] =	stream.linear.scatter [tilespmem:s21], [sflag:$0xB], $0x640, $0x38;
	[tilespmem:$0xA200] =	vst v63  }
0x7b: {  	_ =	swait.ge [sflag:s22], $0x640  }
0x7c: {  	[sflag:s22] =	ssyncset.done $0x0  }
0x7d: {  	s14 =	sadd.s32 $0x258, s15;
	[sflag:s22] =	ssyncadd.s32 $0xFFFFF9C0  }
0x7e: {  	[hbm4b:s14+s2] =	stream.linear.scatter [tilespmem:s23], [sflag:$0xC], $0x640, $0x38;
	[tilespmem:$0xA200] =	vst v63  }
0x7f: {  	_ =	swait.ge [sflag:s24], $0x640  }
0x80: {  	[sflag:s24] =	ssyncset.done $0x0  }
0x81: {  	s14 =	sadd.s32 $0x320, s15;
	[sflag:s24] =	ssyncadd.s32 $0xFFFFF9C0  }
0x82: {  	[hbm4b:s14+s2] =	stream.linear.scatter [tilespmem:s25], [sflag:$0xD], $0x640, $0x38;
	[tilespmem:$0xA200] =	vst v63  }
0x83: {  	_ =	swait.ge [sflag:s26], $0x640  }
0x84: {  	[sflag:s26] =	ssyncset.done $0x0  }
0x85: {  	s14 =	sadd.s32 $0x3E8, s15;
	[sflag:s26] =	ssyncadd.s32 $0xFFFFF9C0  }
0x86: {  	[hbm4b:s14+s2] =	stream.linear.scatter [tilespmem:s28], [sflag:$0xE], $0x640, $0x38;
	[tilespmem:$0xA200] =	vst v63  }
0x87: {  	_ =	swait.ge [sflag:s29], $0x640  }
0x88: {  	[sflag:s29] =	ssyncset.done $0x0  }
0x89: {  	s14 =	sadd.s32 $0x4B0, s15;
	[sflag:s29] =	ssyncadd.s32 $0xFFFFF9C0  }
0x8a: {  	[hbm4b:s14+s2] =	stream.linear.scatter [tilespmem:s30], [sflag:$0xF], $0x640, $0x38;
	[tilespmem:$0xA200] =	vst v63  }
0x8b: {  	_ =	swait.ge [sflag:s31], $0x640  }
0x8c: {  	[sflag:s31] =	ssyncset.done $0x0  }
0x8d: {  	s14 =	sadd.s32 $0x578, s15;
	[sflag:s31] =	ssyncadd.s32 $0xFFFFF9C0  }
0x8e: {  	[hbm4b:s14+s2] =	stream.linear.scatter [tilespmem:s1], [sflag:$0x10], $0x640, $0x38;
	[tilespmem:$0xA200] =	vst v63  }
0x8f: {  	_ =	swait.ge [sflag:s4], $0x640  }
0x90: {  	s12 =	sshra.s32 s12, $0x2;
	[sflag:s4] =	ssyncset.done $0x0  }
0x91: {  	s14 =	sadd.s32 $0x1C0, s12;
	[sflag:s4] =	ssyncadd.s32 $0xFFFFF9C0  }
0x92: {  	[tilespmem:s17], [sflag:$0x1] =	stream.indirect.gather [hbm4b:s3+s16], $0x20, s14, s16, $0xb8;
	[tilespmem:$0xA200] =	vst v63  }
0x93: {  	_ =	swait.ge [sflag:s5], $0x640  }
0x94: {  	[sflag:s5] =	ssyncset.done $0x0  }
0x95: {  	s14 =	sadd.s32 $0x1F8, s12;
	[sflag:s5] =	ssyncadd.s32 $0xFFFFF9C0  }
0x96: {  	[tilespmem:s19], [sflag:$0x2] =	stream.indirect.gather [hbm4b:s3+s16], $0x20, s14, s16, $0xb8;
	[tilespmem:$0xA200] =	vst v63  }
0x97: {  	_ =	swait.ge [sflag:s6], $0x640  }
0x98: {  	[sflag:s6] =	ssyncset.done $0x0  }
0x99: {  	s14 =	sadd.s32 $0x230, s12;
	[sflag:s6] =	ssyncadd.s32 $0xFFFFF9C0  }
0x9a: {  	[tilespmem:s21], [sflag:$0x3] =	stream.indirect.gather [hbm4b:s3+s16], $0x20, s14, s16, $0xb8;
	[tilespmem:$0xA200] =	vst v63  }
0x9b: {  	_ =	swait.ge [sflag:s7], $0x640  }
0x9c: {  	[sflag:s7] =	ssyncset.done $0x0  }
0x9d: {  	s14 =	sadd.s32 $0x268, s12;
	[sflag:s7] =	ssyncadd.s32 $0xFFFFF9C0  }
0x9e: {  	[tilespmem:s23], [sflag:$0x4] =	stream.indirect.gather [hbm4b:s3+s16], $0x20, s14, s16, $0xb8;
	[tilespmem:$0xA200] =	vst v63  }
0x9f: {  	_ =	swait.ge [sflag:s8], $0x640  }
0xa0: {  	[sflag:s8] =	ssyncset.done $0x0  }
0xa1: {  	s14 =	sadd.s32 $0x2A0, s12;
	[sflag:s8] =	ssyncadd.s32 $0xFFFFF9C0  }
0xa2: {  	[tilespmem:s25], [sflag:$0x5] =	stream.indirect.gather [hbm4b:s3+s16], $0x20, s14, s16, $0xb8;
	[tilespmem:$0xA200] =	vst v63  }
0xa3: {  	_ =	swait.ge [sflag:s9], $0x640  }
0xa4: {  	[sflag:s9] =	ssyncset.done $0x0  }
0xa5: {  	s14 =	sadd.s32 $0x2D8, s12;
	[sflag:s9] =	ssyncadd.s32 $0xFFFFF9C0  }
0xa6: {  	[tilespmem:s28], [sflag:$0x6] =	stream.indirect.gather [hbm4b:s3+s16], $0x20, s14, s16, $0xb8;
	[tilespmem:$0xA200] =	vst v63  }
0xa7: {  	_ =	swait.ge [sflag:s10], $0x640  }
0xa8: {  	[sflag:s10] =	ssyncset.done $0x0  }
.Ltmp0:
0xa9: {  	s14 =	sadd.s32 $0x310, s12;
	[sflag:s10] =	ssyncadd.s32 $0xFFFFF9C0;
	(pc) =	sbr.rel @p0 .LBB2_2-.Ltmp0, $4  }
0xaa: {  	[tilespmem:s30], [sflag:$0x7] =	stream.indirect.gather [hbm4b:s3+s16], $0x20, s14, s16, $0xb8;
	[tilespmem:$0xA200] =	vst v63  }
0xab: {  	_ =	swait.ge [sflag:s11], $0x640  }
0xac: {  	[sflag:s11] =	ssyncset.done $0x0  }
0xad: {  	s15 =	sadd.s32 $0x640, s15;
	s12 =	sadd.s32 $0x348, s12;
	[sflag:s11] =	ssyncadd.s32 $0xFFFFF9C0  }
0xae: {  	[tilespmem:s1], [sflag:$0x8] =	stream.indirect.gather [hbm4b:s3+s16], $0x20, s12, s16, $0xb8;
	[tilespmem:$0xA200] =	vst v63  }
0xaf: {  	_ =	swait.ge [sflag:s0], $0x640  }
0xb0: {  	[sflag:s0] =	ssyncset.done $0x0  }
0xb1: {  	s13 =	rddreg [dreg:$0x4];
	[sflag:s0] =	ssyncadd.s32 $0xFFFFF9C0  }
0xb2: {  	[hbm4b:s13+s2] =	stream.linear.scatter [tilespmem:s17], [sflag:$0x9], $0x640, $0x38;
	[tilespmem:$0xA200] =	vst v63  }
0xb3: {  	_ =	swait.ge [sflag:s18], $0x640  }
0xb4: {  	[sflag:s18] =	ssyncset.done $0x0  }
0xb5: {  	s14 =	rddreg [dreg:$0x5];
	[sflag:s18] =	ssyncadd.s32 $0xFFFFF9C0  }
0xb6: {  	[hbm4b:s14+s2] =	stream.linear.scatter [tilespmem:s19], [sflag:$0xA], $0x640, $0x38;
	[tilespmem:$0xA200] =	vst v63  }
0xb7: {  	_ =	swait.ge [sflag:s20], $0x640  }
0xb8: {  	[sflag:s20] =	ssyncset.done $0x0  }
0xb9: {  	s15 =	rddreg [dreg:$0x6];
	[sflag:s20] =	ssyncadd.s32 $0xFFFFF9C0  }
0xba: {  	[hbm4b:s15+s2] =	stream.linear.scatter [tilespmem:s21], [sflag:$0xB], $0x640, $0x38;
	[tilespmem:$0xA200] =	vst v63  }
0xbb: {  	_ =	swait.ge [sflag:s22], $0x640  }
0xbc: {  	[sflag:s22] =	ssyncset.done $0x0  }
0xbd: {  	s13 =	rddreg [dreg:$0x7];
	[sflag:s22] =	ssyncadd.s32 $0xFFFFF9C0  }
0xbe: {  	[hbm4b:s13+s2] =	stream.linear.scatter [tilespmem:s23], [sflag:$0xC], $0x640, $0x38;
	[tilespmem:$0xA200] =	vst v63  }
0xbf: {  	_ =	swait.ge [sflag:s24], $0x640  }
0xc0: {  	[sflag:s24] =	ssyncset.done $0x0  }
0xc1: {  	s14 =	rddreg [dreg:$0x8];
	[sflag:s24] =	ssyncadd.s32 $0xFFFFF9C0  }
0xc2: {  	[hbm4b:s14+s2] =	stream.linear.scatter [tilespmem:s25], [sflag:$0xD], $0x640, $0x38;
	[tilespmem:$0xA200] =	vst v63  }
0xc3: {  	_ =	swait.ge [sflag:s26], $0x640  }
0xc4: {  	[sflag:s26] =	ssyncset.done $0x0  }
0xc5: {  	s15 =	rddreg [dreg:$0x9];
	[sflag:s26] =	ssyncadd.s32 $0xFFFFF9C0  }
0xc6: {  	[hbm4b:s15+s2] =	stream.linear.scatter [tilespmem:s28], [sflag:$0xE], $0x640, $0x38;
	[tilespmem:$0xA200] =	vst v63  }
0xc7: {  	_ =	swait.ge [sflag:s29], $0x640  }
0xc8: {  	[sflag:s29] =	ssyncset.done $0x0  }
0xc9: {  	s13 =	rddreg [dreg:$0xa];
	[sflag:s29] =	ssyncadd.s32 $0xFFFFF9C0  }
0xca: {  	[hbm4b:s13+s2] =	stream.linear.scatter [tilespmem:s30], [sflag:$0xF], $0x640, $0x38;
	[tilespmem:$0xA200] =	vst v63  }
0xcb: {  	_ =	swait.ge [sflag:s31], $0x640  }
0xcc: {  	[sflag:s31] =	ssyncset.done $0x0  }
0xcd: {  	s14 =	rddreg [dreg:$0xb];
	[sflag:s31] =	ssyncadd.s32 $0xFFFFF9C0  }
0xce: {  	[hbm4b:s14+s2] =	stream.linear.scatter [tilespmem:s1], [sflag:$0x10], $0x640, $0x38;
	[tilespmem:$0xA200] =	vst v63  }
0xcf: {  	_ =	swait.ge [sflag:s4], $0x640  }
0xd0: {  	[sflag:s4] =	ssyncset.done $0x0  }
0xd1: {  	[sflag:s4] =	ssyncadd.s32 $0xFFFFF9C0  }
0xd2: {  	_ =	swait.ge [sflag:s5], $0x640  }
0xd3: {  	[sflag:s5] =	ssyncset.done $0x0  }
0xd4: {  	[sflag:s5] =	ssyncadd.s32 $0xFFFFF9C0  }
0xd5: {  	_ =	swait.ge [sflag:s6], $0x640  }
0xd6: {  	[sflag:s6] =	ssyncset.done $0x0  }
0xd7: {  	[sflag:s6] =	ssyncadd.s32 $0xFFFFF9C0  }
0xd8: {  	_ =	swait.ge [sflag:s7], $0x640  }
0xd9: {  	[sflag:s7] =	ssyncset.done $0x0  }
0xda: {  	[sflag:s7] =	ssyncadd.s32 $0xFFFFF9C0  }
0xdb: {  	_ =	swait.ge [sflag:s8], $0x640  }
0xdc: {  	[sflag:s8] =	ssyncset.done $0x0  }
0xdd: {  	[sflag:s8] =	ssyncadd.s32 $0xFFFFF9C0  }
0xde: {  	_ =	swait.ge [sflag:s9], $0x640  }
0xdf: {  	[sflag:s9] =	ssyncset.done $0x0  }
0xe0: {  	[sflag:s9] =	ssyncadd.s32 $0xFFFFF9C0  }
0xe1: {  	_ =	swait.ge [sflag:s10], $0x640  }
0xe2: {  	[sflag:s10] =	ssyncset.done $0x0  }
0xe3: {  	[sflag:s10] =	ssyncadd.s32 $0xFFFFF9C0  }
0xe4: {  	_ =	swait.ge [sflag:s11], $0x640  }
0xe5: {  	s13 =	rddreg [dreg:$0xe]  }
0xe6: {  	s15 =	rddreg [dreg:$0xc];
	s13 =	sadd.s32 $0x1, s13  }
0xe7: {  	p0 =	sne.s32 s13, s15  }
.Ltmp1:
0xe8: {  	_ = 	snop;
	(pc) =	sbr.rel @p0 .LBB2_1-.Ltmp1, $3  }
0xe9: {  	_ =	sdelay $0x1  }
0xea: {  	[sflag:s11] =	ssyncset.done $0x0  }
0xeb: {  	[sflag:s11] =	ssyncadd.s32 $0xFFFFF9C0  }
0xec: {  	_ =	sfence.sel $0x180000  }
0xed: {  	[bflag:$0x0] =	sbarrier.arrive $0xFFFF  }
0xee: {  	_ =	strace $0x90000047  }
0xef: {  	s0 =	stileid.u32;
	[bflag:$0x2] =	sbarrier.arrive $0xFFFF  }
0xf0: {  	p0 =	sne.s32 s0, $0x0;
	s0 =	rddreg [dreg:$0x2]  }
0xf1: {  	s0 =	sadd.s32 @!p0 $0x100000, s0  }
0xf2: {  	[sflag:s0] =	ssyncadd.tile.s32 @!p0 $0x1;
	_ =	shalt  }
.Lfunc_end2:
_tile_overlayer_lowered:
.L_overlay_start_2:
0xf3: {  	(tag) =	ssettag $0x2  }
0xf4: {  	s0 =	rddreg [dreg:$0x0];
	s2 =	stileid.u32  }
0xf5: {  	s1 =	rddreg [dreg:$0x1];
	p0 =	sne.s32 s2, $0x0  }
0xf6: {  	s3 =	rddreg [dreg:$0x2];
	[bflag:$0x3] =	sbarrier.arrive $0xFFFF;
	s2 =	simm.s32 @!p0 $0x1C12  }
0xf7: {  	[timem:s3], [sflag:s2] =	dma.local @!p0 [hbm:s0], s1  }
0xf8: {  	s0 =	simm.s32 @!p0 $0x12  }
0xf9: {  	_ =	swait.ge @!p0 [sflag:s0], s1  }
0xfa: {  	s1 =	ssub.s32 @!p0 $0x0, s1;
	[sflag:s0] =	ssyncset.done @!p0 $0x0  }
0xfb: {  	[sflag:s0] =	ssyncadd.s32 @!p0 s1  }
0xfc: {  	[bflag:$0x3] =	sbarrier.arrive $0xFFFF  }
0xfd: {  	_ =	shalt  }

// kernel: sparse-core-data-format-call.cloned.1.call-start
scs
called_computation_lowered:
.L_overlay_start_0:
0x0: {  	s2 =	sld [smem:$0x3FD9]  }
0x1: {  	s3 =	sld [smem:$0x3FFE];
	_ =	sdelay $0x1  }
0x2: {  	s1 =	srdreg.scid  }
0x3: {  	s0 =	sand.u32 $0x1, s1  }
0x4: {  	s18 =	sshll.u32 s0, $0xA;
	s2 =	sadd.s32 s3, s2  }
0x5: {  	s2 =	sadd.s32 s2, s18  }
0x6: {  	[smem:$0x3FC6] =	sst s2  }
0x7: {  	_ = 	snop  }
0x8: {  	s2 =	sld [smem:$0x3FD0];
	(tm) =	ssettm $0x1  }
0x9: {  	s19 =	sld [smem:$0x3FFB];
	_ =	sdelay $0x3  }
0xa: {  	_ =	strace s19  }
0xb: {  	s3 =	sld [smem:$0x3FFC];
	_ =	sdelay $0x3  }
0xc: {  	_ =	strace s3  }
0xd: {  	s3 =	sld [smem:$0x3FFD];
	_ =	sdelay $0x3  }
0xe: {  	_ =	strace s3  }
0xf: {  	_ =	strace $0x8FFFFFFF  }
0x10: {  	s20 =	sld [smem:$0x3FDB];
	_ =	sdelay $0x1  }
0x11: {  	s4 =	simm.s32 $_scs_section_size  }
0x12: {  	s5 =	simm.s32 $_size__tile_overlayer_lowered;
	s6 =	simm.s32 $_tile_overlayer_lowered  }
0x13: {  	s23 =	simm.s32 $0x1BFF;
	s22 =	sshll.u32 s6, $0x1;
	s3 =	sadd.s32 s4, s20  }
0x14: {  	s7 =	simm.s32 $0x0;
	s21 =	sshll.u32 s5, $0x1;
	s5 =	sadd.s32 s22, s3  }
0x15: {  	[timem:s7], [sflag:s23] =	dma.local [hbm:s5], s21  }
0x16: {  	_ =	swait.ge [sflag:s23], s21  }
0x17: {  	s4 =	ssub.s32 $0x0, s21;
	[sflag:s23] =	ssyncset.done $0x0  }
0x18: {  	[sflag:s23] =	ssyncadd.s32 s4;
	_ =	sdelay $0x1  }
0x19: {  	s24 =	simm.s32 $0x1B8B  }
0x1a: {  	_ =	swait.ge [sflag:s24], $0x1  }
0x1b: {  	[sflag:s24] =	ssyncset.done $0x0  }
0x1c: {  	s26 =	simm.s32 $0x1B8E;
	s25 =	sld [smem:$0x3FFE];
	[sflag:s24] =	ssyncadd.s32 $0xFFFFFFFF  }
0x1d: {  	s27 =	simm.s32 $execute0_lowered;
	[smem:$0x3FD2] =	sst s26  }
0x1e: {  	s5 =	sshll.u32 s27, $0x1;
	_ =	strace $0x80000049;
	[dreg:$0x1] =	wrdreg $0xFFFFFFFF  }
0x1f: {  	s28 =	simm.s32 $_size_execute0_lowered;
	s3 =	sadd.s32 s3, s5;
	[dreg:$0x0] =	wrdreg $0x0  }
0x20: {  	s5 =	sshll.u32 s28, $0x1;
	[dreg:$0x2] =	wrdreg s3  }
0x21: {  	[dreg:$0x3] =	wrdreg s5  }
0x22: {  	[dreg:$0x4] =	wrdreg $0xC0  }
0x23: {  	_ =	task [dreg:s7], $0x5FFFF  }
0x24: {  	[dreg:$0x1] =	wrdreg $0xFFFFFFFF  }
0x25: {  	[dreg:$0x0] =	wrdreg $0x60  }
0x26: {  	[dreg:$0x2] =	wrdreg s25  }
0x27: {  	[dreg:$0x3] =	wrdreg s2  }
0x28: {  	[dreg:$0x4] =	wrdreg $0x9  }
0x29: {  	_ =	task.clear_ibuf [dreg:s7], $0x5FFFF;
	_ =	strace $0x90000049  }
0x2a: {  	s29 =	simm.s32 $0x9;
	_ =	strace $0x8000004B  }
0x2b: {  	_ =	swait.ge [sflag:s29], $0x1  }
0x2c: {  	[sflag:s29] =	ssyncadd.s32 $0xFFFFFFFF  }
0x2d: {  	_ =	strace $0x9000004B  }
0x2e: {  	_ =	sfence  }
0x2f: {  	s30 =	sld [smem:$0x0];
	_ =	sdelay $0x2  }
0x30: {  	s31 =	sshll.u32 s1, $0xD;
	s1 =	sshrl.u32 s1, $0x2  }
0x31: {  	s3 =	sand.u32 $0x4000, s31;
	s1 =	sadd.s32 s1, s30  }
0x32: {  	s0 =	sor.u32 s3, s0;
	s1 =	sshll.u32 s1, $0x11  }
0x33: {  	s0 =	sor.u32 s1, s0  }
0x34: {  	s0 =	sadd.s32 $0x8F2B, s0  }
0x35: {  	[sflag:s0] =	ssyncadd.remote.s32 $0x1  }
0x36: {  	_ =	sfence.sel $0xFFFF  }
0x37: {  	[dreg:$0x0] =	wrdreg $0xFFFFFFFF;
	(pc) =	sbr.abs _section_cstart, $3  }
0x38: {  	[dreg:$0x1] =	wrdreg $0xFFFFFFFF  }
0x39: {  	_ =	task.clear_ibuf [dreg:s7], $0x2FFFF;
	_ =	strace $0x9FFFFFFF  }
0x3a: {  	(tm) =	ssettm $0x7FFFFFFF  }
0x3b: {  	_ =	shalt  }
tec
execute0_lowered:
.L_overlay_start_1:
0x0: {  	(tag) =	ssettag $0x1  }
0x1: {  	s0 =	srdreg.scid  }
0x2: {  	s1 =	sshll.u32 s0, $0x4  }
0x3: {  	s0 =	stileid.u32;
	s1 =	sand.u32 $0x10, s1  }
0x4: {  	s1 =	sor.u32 s0, s1  }
0x5: {  	s6 =	rddreg [dreg:$0x0];
	s4 =	simm.s32 $0x1;
	s2 =	sshll.u32 s1, $0x7  }
0x6: {  	s7 =	simm.s32 $0x2;
	s12 =	simm.s32 $0x0;
	s1 =	ssub.s32 $0x4000, s2  }
0x7: {  	s8 =	simm.s32 $0x20000;
	s13 =	simm.s32 $0x0;
	s3 =	sand.u32 $0xF80, s1  }
0x8: {  	s9 =	simm.s32 $0x0;
	s5 =	sshrl.u32 s1, $0xC;
	p0 =	sne.s32 s3, $0x0  }
.Ltmp0:
0x9: {  	s1 =	rddreg [dreg:$0x2];
	s4 =	simm.s32 @!p0 $0x0;
	(pc) =	sbr.rel .LBB1_1-.Ltmp0, $4  }
0xa: {  	s11 =	simm.s32 $0x0;
	s3 =	rddreg [dreg:$0x1];
	s5 =	sadd.s32 s4, s5  }
0xb: {  	_ =	strace $0x8000004A;
	s4 =	simm.s32 $0x1;
	s5 =	smul.u32 $0x32, s5  }
0xc: {  	s6 =	sadd.s32 $0xA00, s6;
	s10 =	smov.u32 s2;
	[sflag:s4] =	ssyncpa.u1 $0x0  }
0xd: {  	p0 =	por $0x0, $0x0;
	[sflag:s7] =	ssyncpa.u1 $0x0;
	s7 =	sor.u32 $0x1, s5  }
.LBB1_4:
0xe: {  	s16 =	sshll.u32 s13, $0x3;
	s17 =	sand.u32 $0x78, s13  }
0xf: {  	s30 =	sand.u32 $0xF800, s13;
	s12 =	sshll.u32 s12, $0x10;
	s16 =	sand.u32 $0x3C00, s16  }
0x10: {  	s31 =	sand.u32 $0x7, s13;
	s16 =	sor.u32 s17, s16;
	s17 =	sadd.s32 s3, s30  }
0x11: {  	s13 =	sshll.u32 s31, $0x12;
	s16 =	sshrl.u32 s16, $0x3;
	s12 =	sadd.s32 s12, s17  }
0x12: {  	[tilespmem:s15+$0x0 ss:$0x81] =	vst.msk $0xffff, v0;
	s13 =	sor.u32 $0x400, s13;
	s12 =	sadd.s32 s16, s12  }
0x13: {  	[hbm4b:s12+s13] =	stream.strided.scatter [tilespmem:s14], [sflag:$0x2], $0x1000, s8, s13, $0x20;
	[tilespmem:$0x4040] =	vst v63  }
.LBB1_5:
0x14: {  	s14 =	sadd.s32 $0x1, s9  }
0x15: {  	s12 =	sadd.s32 $0x1000, s10;
	s16 =	smov.u32 s10;
	p2 =	sgt.s32 s14, $0x31  }
0x16: {  	s16 =	smov.u32 @p2 s12  }
0x17: {  	s14 =	simm.s32 @p2 $0x0;
	p2 =	sgt.s32 s16, $0x3FFF  }
0x18: {  	s16 =	smov.u32 @p2 s2;
	p2 =	sne.s32 s11, s7  }
.Ltmp1:
0x19: {  	p1 =	slt.u32 s11, $0x2;
	(pc) =	sbr.rel @!p2 .LBB1_6-.Ltmp1, $4  }
0x1a: {  	s15 =	simm.s32 @!p1 $0x2  }
0x1b: {  	s13 =	smov.u32 s10;
	p0 =	por !p0, !p0;
	_ =	swait.ge @!p1 [sflag:s15], $0x1000  }
0x1c: {  	s12 =	smov.u32 s9;
	[sflag:s15] =	ssyncset.done @!p1 $0x0;
	s9 =	smov.u32 s14  }
0x1d: {  	s11 =	sadd.s32 $0x1, s11;
	[sflag:s15] =	ssyncadd.s32 @!p1 $0xFFFFF000;
	s10 =	smov.u32 s16  }
.LBB1_1:
0x1e: {  	p1 =	sge.u32 s11, s5  }
0x1f: {  	s14 =	sand.u32 @!p1 $0x1FFFFFF, s9  }
0x20: {  	s15 =	smulhi.u32 @!p1 $0x4924925, s14;
	_ =	sdelay $0x1  }
0x21: {  	s15 =	smul.u32 @!p1 $0x38, s15  }
0x22: {  	s16 =	sxor.u32 @!p1 $0xFFFFFFFF, s11;
	s17 =	smul.u32 @!p1 $0x380, s10  }
0x23: {  	s31 =	sadd.s32 $0xFFFFFFFF, s11;
	s16 =	sshll.u32 @!p1 s16, $0xC;
	s14 =	ssub.s32 @!p1 s14, s15  }
0x24: {  	s15 =	sand.u32 @!p1 $0x1000, s16;
	s16 =	sadd.s32 @!p1 s6, s17;
	s14 =	sshll.u32 @!p1 s14, $0x4  }
0x25: {  	s17 =	simm.s32 @!p1 $0x1C00;
	s14 =	sadd.s32 @!p1 s14, s16;
	s16 =	simm.s32 @!p1 $0x20  }
0x26: {  	[tilespmem:s15], [sflag:$0x1] =	stream.strided.gather @!p1 [hbm4b:s14+s16], $0x1000, s17, s16, $0x38;
	[tilespmem:$0x4040] =	vst v63  }
0x27: {  	p1 =	sge.u32 s31, s5  }
.Ltmp2:
0x28: {  	_ = 	snop;
	(pc) =	sbr.rel @p1 .LBB1_5-.Ltmp2, $1  }
0x29: {  	_ =	sdelay $0x3  }
0x2a: {  	s14 =	simm.s32 $0x1  }
0x2b: {  	_ =	swait.ge [sflag:s4], $0x1000;
	s14 =	simm.s32 @!p0 $0x0  }
0x2c: {  	[sflag:s4] =	ssyncset.done $0x0;
	s15 =	sshll.u32 s14, $0xC  }
0x2d: {  	[sflag:s4] =	ssyncadd.s32 $0xFFFFF000;
	s18 =	sor.u32 $0x10, s15  }
0x2e: {  	s14 =	smul.u32 $0x4080, s14;
	v1 =	vld [tilespmem:s18+$0x0]  }
0x2f: {  	s30 =	sand.u32 $0x1, s11;
	v0 =	vld [tilespmem:s18+$0xFFFFFFF0]  }
0x30: {  	s15 =	smul.u32 $0x4080, s30;
	s14 =	sshrl.u32 s14, $0x2  }
0x31: {  	s16 =	sor.u32 $0x2000, s14  }
0x32: {  	s31 =	sshrl.u32 s15, $0x2;
	s15 =	sadd.s32 $0x0, s16  }
0x33: {  	s17 =	simm.s32 $0x4;
	s18 =	sadd.s32 $0x20, s18;
	s14 =	sor.u32 $0x2000, s31;
	[tilespmem:s15+$0x810 ss:$0x81] =	vst.msk $0xffff, v1  }
.LBB1_3:
0x34: {  	v1 =	vld [tilespmem:s18+$0x0];
	p1 =	sne.s32 s17, $0x1FC;
	[tilespmem:s15+$0x0 ss:$0x81] =	vst.msk $0xffff, v0;
	s15 =	smov.u32 s17;
	s17 =	sadd.s32 $0x4, s17  }
.Ltmp3:
0x35: {  	v0 =	vld [tilespmem:s18+$0xFFFFFFF0];
	(pc) =	sbr.rel @p1 .LBB1_3-.Ltmp3, $4  }
0x36: {  	_ = 	snop  }
0x37: {  	s15 =	sshra.s32 s15, $0x2  }
0x38: {  	s15 =	sadd.s32 s15, s16  }
0x39: {  	s18 =	sadd.s32 $0x20, s18;
	[tilespmem:s15+$0x810 ss:$0x81] =	vst.msk $0xffff, v1  }
.Ltmp4:
0x3a: {  	_ = 	snop;
	(pc) =	sbr.rel .LBB1_4-.Ltmp4, $1  }
0x3b: {  	_ =	sdelay $0x3  }
.LBB1_6:
0x3c: {  	_ =	sfence.sel $0x180000  }
0x3d: {  	s2 =	simm.s32 $0x1;
	[bflag:$0x0] =	sbarrier.arrive $0xFFFF  }
0x3e: {  	s31 =	simm.s32 $0x2;
	[sflag:s2] =	ssyncpa.u1 $0x1  }
0x3f: {  	[sflag:s31] =	ssyncpa.u1 $0x1  }
0x40: {  	p0 =	sne.s32 s0, $0x0;
	_ =	strace $0x9000004A  }
0x41: {  	s0 =	sadd.s32 @!p0 $0x100000, s1;
	[bflag:$0x2] =	sbarrier.arrive $0xFFFF  }
0x42: {  	[sflag:s0] =	ssyncadd.tile.s32 @!p0 $0x1;
	_ =	shalt  }
.Lfunc_end1:
_tile_overlayer_lowered:
.L_overlay_start_2:
0x43: {  	(tag) =	ssettag $0x2  }
0x44: {  	s0 =	rddreg [dreg:$0x0];
	s2 =	stileid.u32  }
0x45: {  	s1 =	rddreg [dreg:$0x1];
	p0 =	sne.s32 s2, $0x0  }
0x46: {  	s3 =	rddreg [dreg:$0x2];
	[bflag:$0x3] =	sbarrier.arrive $0xFFFF;
	s2 =	simm.s32 @!p0 $0x1C01  }
0x47: {  	[timem:s3], [sflag:s2] =	dma.local @!p0 [hbm:s0], s1  }
0x48: {  	s0 =	simm.s32 @!p0 $0x1  }
0x49: {  	_ =	swait.ge @!p0 [sflag:s0], s1  }
0x4a: {  	s1 =	ssub.s32 @!p0 $0x0, s1;
	[sflag:s0] =	ssyncset.done @!p0 $0x0  }
0x4b: {  	[sflag:s0] =	ssyncadd.s32 @!p0 s1  }
0x4c: {  	[bflag:$0x3] =	sbarrier.arrive $0xFFFF  }
0x4d: {  	_ =	shalt  }

</sc_bundles>
